<compile_context>
chip_gen: v7x
topology: tpu7x:2x2x1
jax: 0.10.2.dev20260603
libtpu: 0.0.44.dev20260713+nightly
codegen_flags: <defaults>
</compile_context>

<pallas_src>
import functools

import jax
import jax.numpy as jnp
from jax import lax
from jax.experimental import pallas as pl
from jax.experimental.pallas import tpu as pltpu
import jax.experimental.pallas.tpu_sc as plsc

_BLK = 512
_WPAD = 128


def _routing(expert_indices, expert_weights, E, K, blk):
    S = expert_indices.size
    nb = S // blk
    ns = nb + E - 1
    e_flat = expert_indices.reshape(S).astype(jnp.int32)
    w_flat = expert_weights.reshape(S).astype(jnp.float32)

    er = jnp.arange(E, dtype=jnp.int32)
    onehot = (er[:, None] == e_flat[None, :]).astype(jnp.int32)
    cum = jnp.cumsum(onehot, axis=1)
    counts = cum[:, -1]
    offsets = jnp.concatenate(
        [jnp.zeros(1, jnp.int32),
         jnp.cumsum(counts).astype(jnp.int32)])
    rank = jnp.sum(cum * onehot, axis=0) - 1
    base = jnp.sum(onehot * offsets[:E][:, None], axis=0)
    pos = (base + rank).astype(jnp.int32)
    pos2 = pos.reshape(-1, K)
    p0 = pos2[:, 0]
    p1 = pos2[:, 1]

    first_b = offsets[:-1] // blk
    last_b = jnp.maximum(offsets[1:] - 1, 0) // blk
    nonempty = counts > 0
    nsteps = jnp.where(nonempty, last_b - first_b + 1, 0).astype(jnp.int32)
    step_off = jnp.concatenate(
        [jnp.zeros(1, jnp.int32), jnp.cumsum(nsteps).astype(jnp.int32)])
    total = step_off[E]
    j = jnp.arange(ns, dtype=jnp.int32)
    eid = jnp.sum((step_off[None, :] <= j[:, None]).astype(jnp.int32),
                  axis=1) - 1
    eid = jnp.clip(eid, 0, E - 1)
    valid = j < total
    last_ne = jnp.max(jnp.where(nonempty, er, -1))
    eid = jnp.where(valid, eid, last_ne).astype(jnp.int32)
    ohe = (eid[:, None] == er[None, :]).astype(jnp.int32)
    fb_e = jnp.sum(ohe * first_b[None, :], axis=1)
    so_e = jnp.sum(ohe * step_off[:E][None, :], axis=1)
    off_e = jnp.sum(ohe * offsets[:E][None, :], axis=1)
    off_e1 = jnp.sum(ohe * offsets[1:][None, :], axis=1)
    bid = jnp.where(valid, fb_e + (j - so_e), nb - 1).astype(jnp.int32)
    bs = bid * blk
    lo = jnp.where(valid, jnp.clip(off_e - bs, 0, blk), 0)
    hi = jnp.where(valid, jnp.clip(off_e1 - bs, 0, blk), 0)
    fv = jnp.concatenate(
        [jnp.ones(1, jnp.int32), (bid[1:] != bid[:-1]).astype(jnp.int32)])
    return (p0, p1, w_flat,
            eid, bid, lo.astype(jnp.int32), hi.astype(jnp.int32), fv, ns)


def _sc_dispatch(x_flat, p0, p1, w_flat):
    T, D = x_flat.shape
    S = w_flat.shape[0]
    K = S // T
    info = plsc.get_sparse_core_info()
    NC, NS = info.num_cores, info.num_subcores
    per_t = T // (NC * NS)
    per_s = per_t * K
    mesh = plsc.VectorSubcoreMesh(core_axis_name="c", subcore_axis_name="s")

    @functools.partial(
        pl.kernel, mesh=mesh,
        out_type=(jax.ShapeDtypeStruct((S, D), jnp.float32),
                  jax.ShapeDtypeStruct((S, _WPAD), jnp.float32)),
        compiler_params=pltpu.CompilerParams(needs_layout_passes=False),
        scratch_types=[
            pltpu.VMEM((per_t, D), jnp.float32),
            pltpu.VMEM((per_t,), jnp.int32),
            pltpu.VMEM((per_t,), jnp.int32),
            pltpu.VMEM((per_s,), jnp.float32),
            pltpu.VMEM((per_s, _WPAD), jnp.float32),
            pltpu.VMEM((per_s,), jnp.int32),
            pltpu.SemaphoreType.DMA,
        ])
    def k(x_hbm, p0_hbm, p1_hbm, w_hbm, xs_hbm, wpad_hbm,
          rows_v, p0_v, p1_v, wsl_v, wstage_v, pall_v, sem):
        wid = lax.axis_index("c") * NS + lax.axis_index("s")
        tb = wid * per_t
        sb = wid * per_s
        i0 = pltpu.async_copy(x_hbm.at[pl.ds(tb, per_t)], rows_v, sem)
        i1 = pltpu.async_copy(p0_hbm.at[pl.ds(tb, per_t)], p0_v, sem)
        i2 = pltpu.async_copy(p1_hbm.at[pl.ds(tb, per_t)], p1_v, sem)
        i3 = pltpu.async_copy(w_hbm.at[pl.ds(sb, per_s)], wsl_v, sem)
        i0.wait()
        i1.wait()
        i2.wait()
        i3.wait()
        io = lax.iota(jnp.int32, 16)
        zv = jnp.zeros((16,), jnp.int32)
        for c in range(per_s // 16):
            plsc.store_scatter(wstage_v, [c * 16 + io, zv],
                               wsl_v[pl.ds(c * 16, 16)])
        for c in range(per_t // 16):
            plsc.store_scatter(pall_v, [2 * (c * 16 + io)],
                               p0_v[pl.ds(c * 16, 16)])
            plsc.store_scatter(pall_v, [2 * (c * 16 + io) + 1],
                               p1_v[pl.ds(c * 16, 16)])
        c1 = pltpu.async_copy(rows_v, xs_hbm.at[p0_v], sem)
        c2 = pltpu.async_copy(rows_v, xs_hbm.at[p1_v], sem)
        c3 = pltpu.async_copy(wstage_v, wpad_hbm.at[pall_v], sem)
        c1.wait()
        c2.wait()
        c3.wait()

    return k(x_flat, p0, p1, w_flat)


def _sc_combine(ys, p0, p1, T):
    S, D = ys.shape
    info = plsc.get_sparse_core_info()
    NC, NS = info.num_cores, info.num_subcores
    per_t = T // (NC * NS)
    mesh = plsc.VectorSubcoreMesh(core_axis_name="c", subcore_axis_name="s")

    @functools.partial(
        pl.kernel, mesh=mesh,
        out_type=jax.ShapeDtypeStruct((T, D), jnp.float32),
        compiler_params=pltpu.CompilerParams(needs_layout_passes=False),
        scratch_types=[
            pltpu.VMEM((per_t,), jnp.int32),
            pltpu.VMEM((per_t,), jnp.int32),
            pltpu.VMEM((per_t, D), jnp.float32),
            pltpu.VMEM((per_t, D), jnp.float32),
            pltpu.VMEM((per_t,), jnp.int32),
            pltpu.SemaphoreType.DMA,
        ])
    def k(ys_hbm, p0_hbm, p1_hbm, out_hbm,
          p0_v, p1_v, buf0_v, buf1_v, ridx_v, sem):
        sid = lax.axis_index("s")
        wid = lax.axis_index("c") * NS + sid
        tb = wid * per_t
        pltpu.sync_copy(p0_hbm.at[pl.ds(tb, per_t)], p0_v)
        pltpu.sync_copy(p1_hbm.at[pl.ds(tb, per_t)], p1_v)
        g0 = pltpu.async_copy(ys_hbm.at[p0_v], buf0_v, sem)
        g1 = pltpu.async_copy(ys_hbm.at[p1_v], buf1_v, sem)
        g0.wait()
        g1.wait()
        @plsc.parallel_loop(0, per_t, unroll=2)
        def row_add(t):
            for c in range(D // 16):
                sl = pl.ds(c * 16, 16)
                buf0_v[t, sl] = buf0_v[t, sl] + buf1_v[t, sl]
        pltpu.sync_copy(buf0_v, out_hbm.at[pl.ds(tb, per_t)])

    return k(ys, p0, p1)


def _tc_grouped_mlp(xs, wpad, W1, b1, W2, b2, eid, bid, lo, hi, fv, blk, ns):
    S, D = xs.shape
    E, _, DFF = W1.shape

    def body(eid_r, bid_r, lo_r, hi_r, fv_r,
             xs_r, w_r, W1_r, b1_r, W2_r, b2_r, ys_r):
        i = pl.program_id(0)

        @pl.when(fv_r[i] == 1)
        def _init():
            ys_r[...] = jnp.zeros_like(ys_r)

        lo_v = lo_r[i]
        hi_v = hi_r[i]

        @pl.when(hi_v > lo_v)
        def _compute():
            xb = xs_r[...]
            h = jnp.dot(xb, W1_r[0], preferred_element_type=jnp.float32)
            h = jax.nn.gelu(h + b1_r[0])
            y = jnp.dot(h, W2_r[0], preferred_element_type=jnp.float32)
            y = y + b2_r[0]
            r = lax.broadcasted_iota(jnp.int32, (blk, 1), 0)
            m = (r >= lo_v) & (r < hi_v)
            wv = jnp.where(m, w_r[..., 0:1], 0.0)
            ys_r[...] += y * wv

    grid_spec = pltpu.PrefetchScalarGridSpec(
        num_scalar_prefetch=5,
        grid=(ns,),
        in_specs=[
            pl.BlockSpec((blk, D), lambda i, e, b, l, h, f: (b[i], 0)),
            pl.BlockSpec((blk, _WPAD), lambda i, e, b, l, h, f: (b[i], 0)),
            pl.BlockSpec((1, D, DFF), lambda i, e, b, l, h, f: (e[i], 0, 0)),
            pl.BlockSpec((1, 1, DFF), lambda i, e, b, l, h, f: (e[i], 0, 0)),
            pl.BlockSpec((1, DFF, D), lambda i, e, b, l, h, f: (e[i], 0, 0)),
            pl.BlockSpec((1, 1, D), lambda i, e, b, l, h, f: (e[i], 0, 0)),
        ],
        out_specs=pl.BlockSpec((blk, D), lambda i, e, b, l, h, f: (b[i], 0)),
    )
    return pl.pallas_call(
        body,
        grid_spec=grid_spec,
        out_shape=jax.ShapeDtypeStruct((S, D), jnp.float32),
        compiler_params=pltpu.CompilerParams(
            dimension_semantics=("arbitrary",),
            vmem_limit_bytes=110 * 1024 * 1024),
    )(eid, bid, lo, hi, fv, xs, wpad, W1,
      b1.reshape(E, 1, DFF), W2, b2.reshape(E, 1, D))


def kernel(x, expert_indices, expert_weights, W1, b1, W2, b2):
    B, L, D = x.shape
    K = expert_indices.shape[-1]
    E = W1.shape[0]
    T = B * L
    x_flat = x.reshape(T, D)

    (p0, p1, w_flat,
     eid, bid, lo, hi, fv, ns) = _routing(expert_indices, expert_weights,
                                          E, K, _BLK)

    xs, wpad = _sc_dispatch(x_flat, p0, p1, w_flat)
    ys = _tc_grouped_mlp(xs, wpad, W1, b1, W2, b2,
                         eid, bid, lo, hi, fv, _BLK, ns)
    out = _sc_combine(ys, p0, p1, T)
    return out.reshape(B, L, D)

# --- scband reference (transcript-rebuilt; emitter-appended) ---
"""Pipeline reference for scband-mo-edispatcher-48584670052582 (READ-ONLY COPY).

The authoritative reference and input builder live on the scoring server;
editing this copy changes nothing except your own understanding.
"""

import jax, jax.numpy as jnp
import numpy as np

NUM_EXPERTS = 8
TOP_K = 2
B, L, D, DFF = 1, 2048, 768, 1536


def setup_inputs(seed: int = 0) -> dict:
    key = jax.random.key(seed)
    k1, k2, k3, k4, k5 = jax.random.split(key, 5)
    x = jax.random.normal(k1, (B, L, D), dtype=jnp.float32)
    expert_indices = jax.random.randint(k2, (B, L, TOP_K), 0, NUM_EXPERTS)
    expert_weights = jax.random.uniform(k3, (B, L, TOP_K), dtype=jnp.float32)
    expert_weights = expert_weights / jnp.sum(expert_weights, axis=-1, keepdims=True)
    W1 = jax.random.normal(k4, (NUM_EXPERTS, D, DFF), dtype=jnp.float32) * (1.0 / np.sqrt(D))
    b1 = jnp.zeros((NUM_EXPERTS, DFF), dtype=jnp.float32)
    W2 = jax.random.normal(k5, (NUM_EXPERTS, DFF, D), dtype=jnp.float32) * (1.0 / np.sqrt(DFF))
    b2 = jnp.zeros((NUM_EXPERTS, D), dtype=jnp.float32)
    return {"x": x, "expert_indices": expert_indices, "expert_weights": expert_weights,
            "W1": W1, "b1": b1, "W2": W2, "b2": b2}


def reference(x, expert_indices, expert_weights, W1, b1, W2, b2):
    # Faithful translation of MoEDispatcher.forward with capacity_factor=inf
    # (no token dropping). Experts are 2-layer GELU MLPs applied densely to the
    # full input (as in the torch code), then weight-combined per token.
    Bx, Lx, Dx = x.shape
    E = W1.shape[0]
    output = jnp.zeros((Bx, Lx, Dx), dtype=x.dtype)
    for expert_idx in range(E):
        mask = (expert_indices == expert_idx)
        weights_for_expert = expert_weights * mask.astype(x.dtype)
        token_weights = jnp.sum(weights_for_expert, axis=-1)  # [B, L]
        h = jax.nn.gelu(jnp.einsum('bld,df->blf', x, W1[expert_idx]) + b1[expert_idx])
        expert_output = jnp.einsum('blf,fd->bld', h, W2[expert_idx]) + b2[expert_idx]
        output = output + expert_output * token_weights[..., None]
    return output

if __name__ == "__main__":
    import jax
    _d = setup_inputs()
    print(jax.jit(kernel)(*tuple(_d.values())))

</pallas_src>

<mosaic_0001>
#map = affine_map<(d0, d1) -> (0, 0)>
#map1 = affine_map<(d0, d1) -> (0)>
module attributes {stable_mosaic.version = 14 : i64} {
  func.func @k(%arg0: i32, %arg1: i32, %arg2: memref<4096x768xf32, #tpu.memory_space<hbm>>, %arg3: memref<2048xi32, #tpu.memory_space<hbm>>, %arg4: memref<2048xi32, #tpu.memory_space<hbm>>, %arg5: memref<2048x768xf32, #tpu.memory_space<hbm>>, %arg6: memref<64xi32, #tpu.memory_space<vmem>>, %arg7: memref<64xi32, #tpu.memory_space<vmem>>, %arg8: memref<64x768xf32, #tpu.memory_space<vmem>>, %arg9: memref<64x768xf32, #tpu.memory_space<vmem>>, %arg10: memref<64xi32, #tpu.memory_space<vmem>>, %arg11: memref<!tpu.dma_semaphore, #tpu.memory_space<semaphore_mem>>) attributes {dimension_semantics = [#tpu.dimension_semantics<core_parallel>, #tpu.dimension_semantics<subcore_parallel>], iteration_bounds = array<i64: 2, 16>, scalar_prefetch = 0 : i64, scratch_operands = 6 : i64, tpu.core_type = #tpu.core_type<sc_vector_subcore>, window_params = [{transform_indices = #map}, {transform_indices = #map1}, {transform_indices = #map1}, {transform_indices = #map}]} {
    %mul3A = arith.constant 16 : i32
    %mul3A_0 = arith.muli %arg0, %mul3A : i32
    %add3A = arith.addi %mul3A_0, %arg1 : i32
    %mul3A_1 = arith.constant 64 : i32
    %mul3A_2 = arith.muli %add3A, %mul3A_1 : i32
    "tpu.region"() ({
      %run_scoped3A = tpu.sem_alloc : memref<!tpu.dma_semaphore, #tpu.memory_space<semaphore_mem>>
      %dma_start3A_15 = tpu.memref_slice %arg3[%mul3A_2] : memref<2048xi32, #tpu.memory_space<hbm>> -> memref<64xi32, #tpu.memory_space<hbm>>
      %dma_start3A_16 = tpu.memref_slice %arg3[%mul3A_2] : memref<2048xi32, #tpu.memory_space<hbm>> -> memref<64xi32, #tpu.memory_space<hbm>>
      tpu.enqueue_dma source(%dma_start3A_16 : memref<64xi32, #tpu.memory_space<hbm>>) target(%arg6 : memref<64xi32, #tpu.memory_space<vmem>>) target_semaphore(%run_scoped3A : memref<!tpu.dma_semaphore, #tpu.memory_space<semaphore_mem>>)
      %dma_wait3A_17 = tpu.memref_slice %arg3[%mul3A_2] : memref<2048xi32, #tpu.memory_space<hbm>> -> memref<64xi32, #tpu.memory_space<hbm>>
      %dma_wait3A_18 = tpu.memref_slice %arg3[%mul3A_2] : memref<2048xi32, #tpu.memory_space<hbm>> -> memref<64xi32, #tpu.memory_space<hbm>>
      tpu.wait_dma2 semaphore(%run_scoped3A : memref<!tpu.dma_semaphore, #tpu.memory_space<semaphore_mem>>) src(%dma_wait3A_18 : memref<64xi32, #tpu.memory_space<hbm>>) dst(%arg6 : memref<64xi32, #tpu.memory_space<vmem>>)
      tpu.yield
    }) : () -> ()
    "tpu.region"() ({
      %run_scoped3A = tpu.sem_alloc : memref<!tpu.dma_semaphore, #tpu.memory_space<semaphore_mem>>
      %dma_start3A_15 = tpu.memref_slice %arg4[%mul3A_2] : memref<2048xi32, #tpu.memory_space<hbm>> -> memref<64xi32, #tpu.memory_space<hbm>>
      %dma_start3A_16 = tpu.memref_slice %arg4[%mul3A_2] : memref<2048xi32, #tpu.memory_space<hbm>> -> memref<64xi32, #tpu.memory_space<hbm>>
      tpu.enqueue_dma source(%dma_start3A_16 : memref<64xi32, #tpu.memory_space<hbm>>) target(%arg7 : memref<64xi32, #tpu.memory_space<vmem>>) target_semaphore(%run_scoped3A : memref<!tpu.dma_semaphore, #tpu.memory_space<semaphore_mem>>)
      %dma_wait3A_17 = tpu.memref_slice %arg4[%mul3A_2] : memref<2048xi32, #tpu.memory_space<hbm>> -> memref<64xi32, #tpu.memory_space<hbm>>
      %dma_wait3A_18 = tpu.memref_slice %arg4[%mul3A_2] : memref<2048xi32, #tpu.memory_space<hbm>> -> memref<64xi32, #tpu.memory_space<hbm>>
      tpu.wait_dma2 semaphore(%run_scoped3A : memref<!tpu.dma_semaphore, #tpu.memory_space<semaphore_mem>>) src(%dma_wait3A_18 : memref<64xi32, #tpu.memory_space<hbm>>) dst(%arg7 : memref<64xi32, #tpu.memory_space<vmem>>)
      tpu.yield
    }) : () -> ()
    %dma_start3A = arith.constant 0 : i32
    %dma_start3A_3 = arith.constant 0 : i32
    %dma_start3A_4 = tpu.memref_slice %arg2[%dma_start3A, %dma_start3A_3] : memref<4096x768xf32, #tpu.memory_space<hbm>> -> memref<4096x768xf32, #tpu.memory_space<hbm>>
    tpu.enqueue_indirect_dma source(%dma_start3A_4 : memref<4096x768xf32, #tpu.memory_space<hbm>>) target(%arg8 : memref<64x768xf32, #tpu.memory_space<vmem>>) offsets(%arg6 : memref<64xi32, #tpu.memory_space<vmem>>) semaphore(%arg11 : memref<!tpu.dma_semaphore, #tpu.memory_space<semaphore_mem>>)
    %dma_start3A_5 = arith.constant 0 : i32
    %dma_start3A_6 = arith.constant 0 : i32
    %dma_start3A_7 = tpu.memref_slice %arg2[%dma_start3A_5, %dma_start3A_6] : memref<4096x768xf32, #tpu.memory_space<hbm>> -> memref<4096x768xf32, #tpu.memory_space<hbm>>
    tpu.enqueue_indirect_dma source(%dma_start3A_7 : memref<4096x768xf32, #tpu.memory_space<hbm>>) target(%arg9 : memref<64x768xf32, #tpu.memory_space<vmem>>) offsets(%arg7 : memref<64xi32, #tpu.memory_space<vmem>>) semaphore(%arg11 : memref<!tpu.dma_semaphore, #tpu.memory_space<semaphore_mem>>)
    %dma_wait3A = arith.constant 0 : i32
    %dma_wait3A_8 = arith.constant 0 : i32
    %dma_wait3A_9 = tpu.memref_slice %arg2[%dma_wait3A, %dma_wait3A_8] : memref<4096x768xf32, #tpu.memory_space<hbm>> -> memref<4096x768xf32, #tpu.memory_space<hbm>>
    tpu.wait_indirect_dma semaphore(%arg11 : memref<!tpu.dma_semaphore, #tpu.memory_space<semaphore_mem>>) src(%dma_wait3A_9 : memref<4096x768xf32, #tpu.memory_space<hbm>>) dst(%arg8 : memref<64x768xf32, #tpu.memory_space<vmem>>)
    %dma_wait3A_10 = arith.constant 0 : i32
    %dma_wait3A_11 = arith.constant 0 : i32
    %dma_wait3A_12 = tpu.memref_slice %arg2[%dma_wait3A_10, %dma_wait3A_11] : memref<4096x768xf32, #tpu.memory_space<hbm>> -> memref<4096x768xf32, #tpu.memory_space<hbm>>
    tpu.wait_indirect_dma semaphore(%arg11 : memref<!tpu.dma_semaphore, #tpu.memory_space<semaphore_mem>>) src(%dma_wait3A_12 : memref<4096x768xf32, #tpu.memory_space<hbm>>) dst(%arg9 : memref<64x768xf32, #tpu.memory_space<vmem>>)
    %parallel_loop3A = arith.constant 0 : i32
    %parallel_loop3A_13 = arith.constant 64 : i32
    %parallel_loop3A_14 = arith.constant 1 : i32
    scf.for %parallel_loop3A_15 = %parallel_loop3A to %parallel_loop3A_13 step %parallel_loop3A_14  : i32 {
      %parallel_loop3A_16 = arith.index_cast %parallel_loop3A_15 : i32 to index
      %parallel_loop3A_17 = arith.constant 0 : index
      %parallel_loop3A_18 = tpu.vector_load %arg8[%parallel_loop3A_16, %parallel_loop3A_17] {strides = array<i32>} : memref<64x768xf32, #tpu.memory_space<vmem>>, vector<16xf32>,
      %parallel_loop3A_19 = arith.index_cast %parallel_loop3A_15 : i32 to index
      %parallel_loop3A_20 = arith.constant 0 : index
      %parallel_loop3A_21 = tpu.vector_load %arg9[%parallel_loop3A_19, %parallel_loop3A_20] {strides = array<i32>} : memref<64x768xf32, #tpu.memory_space<vmem>>, vector<16xf32>,
      %parallel_loop3A_22 = arith.addf %parallel_loop3A_18, %parallel_loop3A_21 : vector<16xf32>
      %parallel_loop3A_23 = arith.index_cast %parallel_loop3A_15 : i32 to index
      %parallel_loop3A_24 = arith.constant 0 : index
      %parallel_loop3A_25 = tpu.vector_load %arg8[%parallel_loop3A_23, %parallel_loop3A_24] {strides = array<i32>} : memref<64x768xf32, #tpu.memory_space<vmem>>, vector<16xf32>,
      tpu.vector_store %arg8[%parallel_loop3A_23, %parallel_loop3A_24], %parallel_loop3A_22 {strides = array<i32>} : memref<64x768xf32, #tpu.memory_space<vmem>>, vector<16xf32>,
      %parallel_loop3A_26 = arith.index_cast %parallel_loop3A_15 : i32 to index
      %parallel_loop3A_27 = arith.constant 16 : index
      %parallel_loop3A_28 = tpu.vector_load %arg8[%parallel_loop3A_26, %parallel_loop3A_27] {strides = array<i32>} : memref<64x768xf32, #tpu.memory_space<vmem>>, vector<16xf32>,
      %parallel_loop3A_29 = arith.index_cast %parallel_loop3A_15 : i32 to index
      %parallel_loop3A_30 = arith.constant 16 : index
      %parallel_loop3A_31 = tpu.vector_load %arg9[%parallel_loop3A_29, %parallel_loop3A_30] {strides = array<i32>} : memref<64x768xf32, #tpu.memory_space<vmem>>, vector<16xf32>,
      %parallel_loop3A_32 = arith.addf %parallel_loop3A_28, %parallel_loop3A_31 : vector<16xf32>
      %parallel_loop3A_33 = arith.index_cast %parallel_loop3A_15 : i32 to index
      %parallel_loop3A_34 = arith.constant 16 : index
      %parallel_loop3A_35 = tpu.vector_load %arg8[%parallel_loop3A_33, %parallel_loop3A_34] {strides = array<i32>} : memref<64x768xf32, #tpu.memory_space<vmem>>, vector<16xf32>,
      tpu.vector_store %arg8[%parallel_loop3A_33, %parallel_loop3A_34], %parallel_loop3A_32 {strides = array<i32>} : memref<64x768xf32, #tpu.memory_space<vmem>>, vector<16xf32>,
      %parallel_loop3A_36 = arith.index_cast %parallel_loop3A_15 : i32 to index
      %parallel_loop3A_37 = arith.constant 32 : index
      %parallel_loop3A_38 = tpu.vector_load %arg8[%parallel_loop3A_36, %parallel_loop3A_37] {strides = array<i32>} : memref<64x768xf32, #tpu.memory_space<vmem>>, vector<16xf32>,
      %parallel_loop3A_39 = arith.index_cast %parallel_loop3A_15 : i32 to index
      %parallel_loop3A_40 = arith.constant 32 : index
      %parallel_loop3A_41 = tpu.vector_load %arg9[%parallel_loop3A_39, %parallel_loop3A_40] {strides = array<i32>} : memref<64x768xf32, #tpu.memory_space<vmem>>, vector<16xf32>,
      %parallel_loop3A_42 = arith.addf %parallel_loop3A_38, %parallel_loop3A_41 : vector<16xf32>
      %parallel_loop3A_43 = arith.index_cast %parallel_loop3A_15 : i32 to index
      %parallel_loop3A_44 = arith.constant 32 : index
      %parallel_loop3A_45 = tpu.vector_load %arg8[%parallel_loop3A_43, %parallel_loop3A_44] {strides = array<i32>} : memref<64x768xf32, #tpu.memory_space<vmem>>, vector<16xf32>,
      tpu.vector_store %arg8[%parallel_loop3A_43, %parallel_loop3A_44], %parallel_loop3A_42 {strides = array<i32>} : memref<64x768xf32, #tpu.memory_space<vmem>>, vector<16xf32>,
      %parallel_loop3A_46 = arith.index_cast %parallel_loop3A_15 : i32 to index
      %parallel_loop3A_47 = arith.constant 48 : index
      %parallel_loop3A_48 = tpu.vector_load %arg8[%parallel_loop3A_46, %parallel_loop3A_47] {strides = array<i32>} : memref<64x768xf32, #tpu.memory_space<vmem>>, vector<16xf32>,
      %parallel_loop3A_49 = arith.index_cast %parallel_loop3A_15 : i32 to index
      %parallel_loop3A_50 = arith.constant 48 : index
      %parallel_loop3A_51 = tpu.vector_load %arg9[%parallel_loop3A_49, %parallel_loop3A_50] {strides = array<i32>} : memref<64x768xf32, #tpu.memory_space<vmem>>, vector<16xf32>,
      %parallel_loop3A_52 = arith.addf %parallel_loop3A_48, %parallel_loop3A_51 : vector<16xf32>
      %parallel_loop3A_53 = arith.index_cast %parallel_loop3A_15 : i32 to index
      %parallel_loop3A_54 = arith.constant 48 : index
      %parallel_loop3A_55 = tpu.vector_load %arg8[%parallel_loop3A_53, %parallel_loop3A_54] {strides = array<i32>} : memref<64x768xf32, #tpu.memory_space<vmem>>, vector<16xf32>,
      tpu.vector_store %arg8[%parallel_loop3A_53, %parallel_loop3A_54], %parallel_loop3A_52 {strides = array<i32>} : memref<64x768xf32, #tpu.memory_space<vmem>>, vector<16xf32>,
      %parallel_loop3A_56 = arith.index_cast %parallel_loop3A_15 : i32 to index
      %parallel_loop3A_57 = arith.constant 64 : index
      %parallel_loop3A_58 = tpu.vector_load %arg8[%parallel_loop3A_56, %parallel_loop3A_57] {strides = array<i32>} : memref<64x768xf32, #tpu.memory_space<vmem>>, vector<16xf32>,
      %parallel_loop3A_59 = arith.index_cast %parallel_loop3A_15 : i32 to index
      %parallel_loop3A_60 = arith.constant 64 : index
      %parallel_loop3A_61 = tpu.vector_load %arg9[%parallel_loop3A_59, %parallel_loop3A_60] {strides = array<i32>} : memref<64x768xf32, #tpu.memory_space<vmem>>, vector<16xf32>,
      %parallel_loop3A_62 = arith.addf %parallel_loop3A_58, %parallel_loop3A_61 : vector<16xf32>
      %parallel_loop3A_63 = arith.index_cast %parallel_loop3A_15 : i32 to index
      %parallel_loop3A_64 = arith.constant 64 : index
      %parallel_loop3A_65 = tpu.vector_load %arg8[%parallel_loop3A_63, %parallel_loop3A_64] {strides = array<i32>} : memref<64x768xf32, #tpu.memory_space<vmem>>, vector<16xf32>,
      tpu.vector_store %arg8[%parallel_loop3A_63, %parallel_loop3A_64], %parallel_loop3A_62 {strides = array<i32>} : memref<64x768xf32, #tpu.memory_space<vmem>>, vector<16xf32>,
      %parallel_loop3A_66 = arith.index_cast %parallel_loop3A_15 : i32 to index
      %parallel_loop3A_67 = arith.constant 80 : index
      %parallel_loop3A_68 = tpu.vector_load %arg8[%parallel_loop3A_66, %parallel_loop3A_67] {strides = array<i32>} : memref<64x768xf32, #tpu.memory_space<vmem>>, vector<16xf32>,
      %parallel_loop3A_69 = arith.index_cast %parallel_loop3A_15 : i32 to index
      %parallel_loop3A_70 = arith.constant 80 : index
      %parallel_loop3A_71 = tpu.vector_load %arg9[%parallel_loop3A_69, %parallel_loop3A_70] {strides = array<i32>} : memref<64x768xf32, #tpu.memory_space<vmem>>, vector<16xf32>,
      %parallel_loop3A_72 = arith.addf %parallel_loop3A_68, %parallel_loop3A_71 : vector<16xf32>
      %parallel_loop3A_73 = arith.index_cast %parallel_loop3A_15 : i32 to index
      %parallel_loop3A_74 = arith.constant 80 : index
      %parallel_loop3A_75 = tpu.vector_load %arg8[%parallel_loop3A_73, %parallel_loop3A_74] {strides = array<i32>} : memref<64x768xf32, #tpu.memory_space<vmem>>, vector<16xf32>,
      tpu.vector_store %arg8[%parallel_loop3A_73, %parallel_loop3A_74], %parallel_loop3A_72 {strides = array<i32>} : memref<64x768xf32, #tpu.memory_space<vmem>>, vector<16xf32>,
      %parallel_loop3A_76 = arith.index_cast %parallel_loop3A_15 : i32 to index
      %parallel_loop3A_77 = arith.constant 96 : index
      %parallel_loop3A_78 = tpu.vector_load %arg8[%parallel_loop3A_76, %parallel_loop3A_77] {strides = array<i32>} : memref<64x768xf32, #tpu.memory_space<vmem>>, vector<16xf32>,
      %parallel_loop3A_79 = arith.index_cast %parallel_loop3A_15 : i32 to index
      %parallel_loop3A_80 = arith.constant 96 : index
      %parallel_loop3A_81 = tpu.vector_load %arg9[%parallel_loop3A_79, %parallel_loop3A_80] {strides = array<i32>} : memref<64x768xf32, #tpu.memory_space<vmem>>, vector<16xf32>,
      %parallel_loop3A_82 = arith.addf %parallel_loop3A_78, %parallel_loop3A_81 : vector<16xf32>
      %parallel_loop3A_83 = arith.index_cast %parallel_loop3A_15 : i32 to index
      %parallel_loop3A_84 = arith.constant 96 : index
      %parallel_loop3A_85 = tpu.vector_load %arg8[%parallel_loop3A_83, %parallel_loop3A_84] {strides = array<i32>} : memref<64x768xf32, #tpu.memory_space<vmem>>, vector<16xf32>,
      tpu.vector_store %arg8[%parallel_loop3A_83, %parallel_loop3A_84], %parallel_loop3A_82 {strides = array<i32>} : memref<64x768xf32, #tpu.memory_space<vmem>>, vector<16xf32>,
      %parallel_loop3A_86 = arith.index_cast %parallel_loop3A_15 : i32 to index
      %parallel_loop3A_87 = arith.constant 112 : index
      %parallel_loop3A_88 = tpu.vector_load %arg8[%parallel_loop3A_86, %parallel_loop3A_87] {strides = array<i32>} : memref<64x768xf32, #tpu.memory_space<vmem>>, vector<16xf32>,
      %parallel_loop3A_89 = arith.index_cast %parallel_loop3A_15 : i32 to index
      %parallel_loop3A_90 = arith.constant 112 : index
      %parallel_loop3A_91 = tpu.vector_load %arg9[%parallel_loop3A_89, %parallel_loop3A_90] {strides = array<i32>} : memref<64x768xf32, #tpu.memory_space<vmem>>, vector<16xf32>,
      %parallel_loop3A_92 = arith.addf %parallel_loop3A_88, %parallel_loop3A_91 : vector<16xf32>
      %parallel_loop3A_93 = arith.index_cast %parallel_loop3A_15 : i32 to index
      %parallel_loop3A_94 = arith.constant 112 : index
      %parallel_loop3A_95 = tpu.vector_load %arg8[%parallel_loop3A_93, %parallel_loop3A_94] {strides = array<i32>} : memref<64x768xf32, #tpu.memory_space<vmem>>, vector<16xf32>,
      tpu.vector_store %arg8[%parallel_loop3A_93, %parallel_loop3A_94], %parallel_loop3A_92 {strides = array<i32>} : memref<64x768xf32, #tpu.memory_space<vmem>>, vector<16xf32>,
      %parallel_loop3A_96 = arith.index_cast %parallel_loop3A_15 : i32 to index
      %parallel_loop3A_97 = arith.constant 128 : index
      %parallel_loop3A_98 = tpu.vector_load %arg8[%parallel_loop3A_96, %parallel_loop3A_97] {strides = array<i32>} : memref<64x768xf32, #tpu.memory_space<vmem>>, vector<16xf32>,
      %parallel_loop3A_99 = arith.index_cast %parallel_loop3A_15 : i32 to index
      %parallel_loop3A_100 = arith.constant 128 : index
      %parallel_loop3A_101 = tpu.vector_load %arg9[%parallel_loop3A_99, %parallel_loop3A_100] {strides = array<i32>} : memref<64x768xf32, #tpu.memory_space<vmem>>, vector<16xf32>,
      %parallel_loop3A_102 = arith.addf %parallel_loop3A_98, %parallel_loop3A_101 : vector<16xf32>
      %parallel_loop3A_103 = arith.index_cast %parallel_loop3A_15 : i32 to index
      %parallel_loop3A_104 = arith.constant 128 : index
      %parallel_loop3A_105 = tpu.vector_load %arg8[%parallel_loop3A_103, %parallel_loop3A_104] {strides = array<i32>} : memref<64x768xf32, #tpu.memory_space<vmem>>, vector<16xf32>,
      tpu.vector_store %arg8[%parallel_loop3A_103, %parallel_loop3A_104], %parallel_loop3A_102 {strides = array<i32>} : memref<64x768xf32, #tpu.memory_space<vmem>>, vector<16xf32>,
      %parallel_loop3A_106 = arith.index_cast %parallel_loop3A_15 : i32 to index
      %parallel_loop3A_107 = arith.constant 144 : index
      %parallel_loop3A_108 = tpu.vector_load %arg8[%parallel_loop3A_106, %parallel_loop3A_107] {strides = array<i32>} : memref<64x768xf32, #tpu.memory_space<vmem>>, vector<16xf32>,
      %parallel_loop3A_109 = arith.index_cast %parallel_loop3A_15 : i32 to index
      %parallel_loop3A_110 = arith.constant 144 : index
      %parallel_loop3A_111 = tpu.vector_load %arg9[%parallel_loop3A_109, %parallel_loop3A_110] {strides = array<i32>} : memref<64x768xf32, #tpu.memory_space<vmem>>, vector<16xf32>,
      %parallel_loop3A_112 = arith.addf %parallel_loop3A_108, %parallel_loop3A_111 : vector<16xf32>
      %parallel_loop3A_113 = arith.index_cast %parallel_loop3A_15 : i32 to index
      %parallel_loop3A_114 = arith.constant 144 : index
      %parallel_loop3A_115 = tpu.vector_load %arg8[%parallel_loop3A_113, %parallel_loop3A_114] {strides = array<i32>} : memref<64x768xf32, #tpu.memory_space<vmem>>, vector<16xf32>,
      tpu.vector_store %arg8[%parallel_loop3A_113, %parallel_loop3A_114], %parallel_loop3A_112 {strides = array<i32>} : memref<64x768xf32, #tpu.memory_space<vmem>>, vector<16xf32>,
      %parallel_loop3A_116 = arith.index_cast %parallel_loop3A_15 : i32 to index
      %parallel_loop3A_117 = arith.constant 160 : index
      %parallel_loop3A_118 = tpu.vector_load %arg8[%parallel_loop3A_116, %parallel_loop3A_117] {strides = array<i32>} : memref<64x768xf32, #tpu.memory_space<vmem>>, vector<16xf32>,
      %parallel_loop3A_119 = arith.index_cast %parallel_loop3A_15 : i32 to index
      %parallel_loop3A_120 = arith.constant 160 : index
      %parallel_loop3A_121 = tpu.vector_load %arg9[%parallel_loop3A_119, %parallel_loop3A_120] {strides = array<i32>} : memref<64x768xf32, #tpu.memory_space<vmem>>, vector<16xf32>,
      %parallel_loop3A_122 = arith.addf %parallel_loop3A_118, %parallel_loop3A_121 : vector<16xf32>
      %parallel_loop3A_123 = arith.index_cast %parallel_loop3A_15 : i32 to index
      %parallel_loop3A_124 = arith.constant 160 : index
      %parallel_loop3A_125 = tpu.vector_load %arg8[%parallel_loop3A_123, %parallel_loop3A_124] {strides = array<i32>} : memref<64x768xf32, #tpu.memory_space<vmem>>, vector<16xf32>,
      tpu.vector_store %arg8[%parallel_loop3A_123, %parallel_loop3A_124], %parallel_loop3A_122 {strides = array<i32>} : memref<64x768xf32, #tpu.memory_space<vmem>>, vector<16xf32>,
      %parallel_loop3A_126 = arith.index_cast %parallel_loop3A_15 : i32 to index
      %parallel_loop3A_127 = arith.constant 176 : index
      %parallel_loop3A_128 = tpu.vector_load %arg8[%parallel_loop3A_126, %parallel_loop3A_127] {strides = array<i32>} : memref<64x768xf32, #tpu.memory_space<vmem>>, vector<16xf32>,
      %parallel_loop3A_129 = arith.index_cast %parallel_loop3A_15 : i32 to index
      %parallel_loop3A_130 = arith.constant 176 : index
      %parallel_loop3A_131 = tpu.vector_load %arg9[%parallel_loop3A_129, %parallel_loop3A_130] {strides = array<i32>} : memref<64x768xf32, #tpu.memory_space<vmem>>, vector<16xf32>,
      %parallel_loop3A_132 = arith.addf %parallel_loop3A_128, %parallel_loop3A_131 : vector<16xf32>
      %parallel_loop3A_133 = arith.index_cast %parallel_loop3A_15 : i32 to index
      %parallel_loop3A_134 = arith.constant 176 : index
      %parallel_loop3A_135 = tpu.vector_load %arg8[%parallel_loop3A_133, %parallel_loop3A_134] {strides = array<i32>} : memref<64x768xf32, #tpu.memory_space<vmem>>, vector<16xf32>,
      tpu.vector_store %arg8[%parallel_loop3A_133, %parallel_loop3A_134], %parallel_loop3A_132 {strides = array<i32>} : memref<64x768xf32, #tpu.memory_space<vmem>>, vector<16xf32>,
      %parallel_loop3A_136 = arith.index_cast %parallel_loop3A_15 : i32 to index
      %parallel_loop3A_137 = arith.constant 192 : index
      %parallel_loop3A_138 = tpu.vector_load %arg8[%parallel_loop3A_136, %parallel_loop3A_137] {strides = array<i32>} : memref<64x768xf32, #tpu.memory_space<vmem>>, vector<16xf32>,
      %parallel_loop3A_139 = arith.index_cast %parallel_loop3A_15 : i32 to index
      %parallel_loop3A_140 = arith.constant 192 : index
      %parallel_loop3A_141 = tpu.vector_load %arg9[%parallel_loop3A_139, %parallel_loop3A_140] {strides = array<i32>} : memref<64x768xf32, #tpu.memory_space<vmem>>, vector<16xf32>,
      %parallel_loop3A_142 = arith.addf %parallel_loop3A_138, %parallel_loop3A_141 : vector<16xf32>
      %parallel_loop3A_143 = arith.index_cast %parallel_loop3A_15 : i32 to index
      %parallel_loop3A_144 = arith.constant 192 : index
      %parallel_loop3A_145 = tpu.vector_load %arg8[%parallel_loop3A_143, %parallel_loop3A_144] {strides = array<i32>} : memref<64x768xf32, #tpu.memory_space<vmem>>, vector<16xf32>,
      tpu.vector_store %arg8[%parallel_loop3A_143, %parallel_loop3A_144], %parallel_loop3A_142 {strides = array<i32>} : memref<64x768xf32, #tpu.memory_space<vmem>>, vector<16xf32>,
      %parallel_loop3A_146 = arith.index_cast %parallel_loop3A_15 : i32 to index
      %parallel_loop3A_147 = arith.constant 208 : index
      %parallel_loop3A_148 = tpu.vector_load %arg8[%parallel_loop3A_146, %parallel_loop3A_147] {strides = array<i32>} : memref<64x768xf32, #tpu.memory_space<vmem>>, vector<16xf32>,
      %parallel_loop3A_149 = arith.index_cast %parallel_loop3A_15 : i32 to index
      %parallel_loop3A_150 = arith.constant 208 : index
      %parallel_loop3A_151 = tpu.vector_load %arg9[%parallel_loop3A_149, %parallel_loop3A_150] {strides = array<i32>} : memref<64x768xf32, #tpu.memory_space<vmem>>, vector<16xf32>,
      %parallel_loop3A_152 = arith.addf %parallel_loop3A_148, %parallel_loop3A_151 : vector<16xf32>
      %parallel_loop3A_153 = arith.index_cast %parallel_loop3A_15 : i32 to index
      %parallel_loop3A_154 = arith.constant 208 : index
      %parallel_loop3A_155 = tpu.vector_load %arg8[%parallel_loop3A_153, %parallel_loop3A_154] {strides = array<i32>} : memref<64x768xf32, #tpu.memory_space<vmem>>, vector<16xf32>,
      tpu.vector_store %arg8[%parallel_loop3A_153, %parallel_loop3A_154], %parallel_loop3A_152 {strides = array<i32>} : memref<64x768xf32, #tpu.memory_space<vmem>>, vector<16xf32>,
      %parallel_loop3A_156 = arith.index_cast %parallel_loop3A_15 : i32 to index
      %parallel_loop3A_157 = arith.constant 224 : index
      %parallel_loop3A_158 = tpu.vector_load %arg8[%parallel_loop3A_156, %parallel_loop3A_157] {strides = array<i32>} : memref<64x768xf32, #tpu.memory_space<vmem>>, vector<16xf32>,
      %parallel_loop3A_159 = arith.index_cast %parallel_loop3A_15 : i32 to index
      %parallel_loop3A_160 = arith.constant 224 : index
      %parallel_loop3A_161 = tpu.vector_load %arg9[%parallel_loop3A_159, %parallel_loop3A_160] {strides = array<i32>} : memref<64x768xf32, #tpu.memory_space<vmem>>, vector<16xf32>,
      %parallel_loop3A_162 = arith.addf %parallel_loop3A_158, %parallel_loop3A_161 : vector<16xf32>
      %parallel_loop3A_163 = arith.index_cast %parallel_loop3A_15 : i32 to index
      %parallel_loop3A_164 = arith.constant 224 : index
      %parallel_loop3A_165 = tpu.vector_load %arg8[%parallel_loop3A_163, %parallel_loop3A_164] {strides = array<i32>} : memref<64x768xf32, #tpu.memory_space<vmem>>, vector<16xf32>,
      tpu.vector_store %arg8[%parallel_loop3A_163, %parallel_loop3A_164], %parallel_loop3A_162 {strides = array<i32>} : memref<64x768xf32, #tpu.memory_space<vmem>>, vector<16xf32>,
      %parallel_loop3A_166 = arith.index_cast %parallel_loop3A_15 : i32 to index
      %parallel_loop3A_167 = arith.constant 240 : index
      %parallel_loop3A_168 = tpu.vector_load %arg8[%parallel_loop3A_166, %parallel_loop3A_167] {strides = array<i32>} : memref<64x768xf32, #tpu.memory_space<vmem>>, vector<16xf32>,
      %parallel_loop3A_169 = arith.index_cast %parallel_loop3A_15 : i32 to index
      %parallel_loop3A_170 = arith.constant 240 : index
      %parallel_loop3A_171 = tpu.vector_load %arg9[%parallel_loop3A_169, %parallel_loop3A_170] {strides = array<i32>} : memref<64x768xf32, #tpu.memory_space<vmem>>, vector<16xf32>,
      %parallel_loop3A_172 = arith.addf %parallel_loop3A_168, %parallel_loop3A_171 : vector<16xf32>
      %parallel_loop3A_173 = arith.index_cast %parallel_loop3A_15 : i32 to index
      %parallel_loop3A_174 = arith.constant 240 : index
      %parallel_loop3A_175 = tpu.vector_load %arg8[%parallel_loop3A_173, %parallel_loop3A_174] {strides = array<i32>} : memref<64x768xf32, #tpu.memory_space<vmem>>, vector<16xf32>,
      tpu.vector_store %arg8[%parallel_loop3A_173, %parallel_loop3A_174], %parallel_loop3A_172 {strides = array<i32>} : memref<64x768xf32, #tpu.memory_space<vmem>>, vector<16xf32>,
      %parallel_loop3A_176 = arith.index_cast %parallel_loop3A_15 : i32 to index
      %parallel_loop3A_177 = arith.constant 256 : index
      %parallel_loop3A_178 = tpu.vector_load %arg8[%parallel_loop3A_176, %parallel_loop3A_177] {strides = array<i32>} : memref<64x768xf32, #tpu.memory_space<vmem>>, vector<16xf32>,
      %parallel_loop3A_179 = arith.index_cast %parallel_loop3A_15 : i32 to index
      %parallel_loop3A_180 = arith.constant 256 : index
      %parallel_loop3A_181 = tpu.vector_load %arg9[%parallel_loop3A_179, %parallel_loop3A_180] {strides = array<i32>} : memref<64x768xf32, #tpu.memory_space<vmem>>, vector<16xf32>,
      %parallel_loop3A_182 = arith.addf %parallel_loop3A_178, %parallel_loop3A_181 : vector<16xf32>
      %parallel_loop3A_183 = arith.index_cast %parallel_loop3A_15 : i32 to index
      %parallel_loop3A_184 = arith.constant 256 : index
      %parallel_loop3A_185 = tpu.vector_load %arg8[%parallel_loop3A_183, %parallel_loop3A_184] {strides = array<i32>} : memref<64x768xf32, #tpu.memory_space<vmem>>, vector<16xf32>,
      tpu.vector_store %arg8[%parallel_loop3A_183, %parallel_loop3A_184], %parallel_loop3A_182 {strides = array<i32>} : memref<64x768xf32, #tpu.memory_space<vmem>>, vector<16xf32>,
      %parallel_loop3A_186 = arith.index_cast %parallel_loop3A_15 : i32 to index
      %parallel_loop3A_187 = arith.constant 272 : index
      %parallel_loop3A_188 = tpu.vector_load %arg8[%parallel_loop3A_186, %parallel_loop3A_187] {strides = array<i32>} : memref<64x768xf32, #tpu.memory_space<vmem>>, vector<16xf32>,
      %parallel_loop3A_189 = arith.index_cast %parallel_loop3A_15 : i32 to index
      %parallel_loop3A_190 = arith.constant 272 : index
      %parallel_loop3A_191 = tpu.vector_load %arg9[%parallel_loop3A_189, %parallel_loop3A_190] {strides = array<i32>} : memref<64x768xf32, #tpu.memory_space<vmem>>, vector<16xf32>,
      %parallel_loop3A_192 = arith.addf %parallel_loop3A_188, %parallel_loop3A_191 : vector<16xf32>
      %parallel_loop3A_193 = arith.index_cast %parallel_loop3A_15 : i32 to index
      %parallel_loop3A_194 = arith.constant 272 : index
      %parallel_loop3A_195 = tpu.vector_load %arg8[%parallel_loop3A_193, %parallel_loop3A_194] {strides = array<i32>} : memref<64x768xf32, #tpu.memory_space<vmem>>, vector<16xf32>,
      tpu.vector_store %arg8[%parallel_loop3A_193, %parallel_loop3A_194], %parallel_loop3A_192 {strides = array<i32>} : memref<64x768xf32, #tpu.memory_space<vmem>>, vector<16xf32>,
      %parallel_loop3A_196 = arith.index_cast %parallel_loop3A_15 : i32 to index
      %parallel_loop3A_197 = arith.constant 288 : index
      %parallel_loop3A_198 = tpu.vector_load %arg8[%parallel_loop3A_196, %parallel_loop3A_197] {strides = array<i32>} : memref<64x768xf32, #tpu.memory_space<vmem>>, vector<16xf32>,
      %parallel_loop3A_199 = arith.index_cast %parallel_loop3A_15 : i32 to index
      %parallel_loop3A_200 = arith.constant 288 : index
      %parallel_loop3A_201 = tpu.vector_load %arg9[%parallel_loop3A_199, %parallel_loop3A_200] {strides = array<i32>} : memref<64x768xf32, #tpu.memory_space<vmem>>, vector<16xf32>,
      %parallel_loop3A_202 = arith.addf %parallel_loop3A_198, %parallel_loop3A_201 : vector<16xf32>
      %parallel_loop3A_203 = arith.index_cast %parallel_loop3A_15 : i32 to index
      %parallel_loop3A_204 = arith.constant 288 : index
      %parallel_loop3A_205 = tpu.vector_load %arg8[%parallel_loop3A_203, %parallel_loop3A_204] {strides = array<i32>} : memref<64x768xf32, #tpu.memory_space<vmem>>, vector<16xf32>,
      tpu.vector_store %arg8[%parallel_loop3A_203, %parallel_loop3A_204], %parallel_loop3A_202 {strides = array<i32>} : memref<64x768xf32, #tpu.memory_space<vmem>>, vector<16xf32>,
      %parallel_loop3A_206 = arith.index_cast %parallel_loop3A_15 : i32 to index
      %parallel_loop3A_207 = arith.constant 304 : index
      %parallel_loop3A_208 = tpu.vector_load %arg8[%parallel_loop3A_206, %parallel_loop3A_207] {strides = array<i32>} : memref<64x768xf32, #tpu.memory_space<vmem>>, vector<16xf32>,
      %parallel_loop3A_209 = arith.index_cast %parallel_loop3A_15 : i32 to index
      %parallel_loop3A_210 = arith.constant 304 : index
      %parallel_loop3A_211 = tpu.vector_load %arg9[%parallel_loop3A_209, %parallel_loop3A_210] {strides = array<i32>} : memref<64x768xf32, #tpu.memory_space<vmem>>, vector<16xf32>,
      %parallel_loop3A_212 = arith.addf %parallel_loop3A_208, %parallel_loop3A_211 : vector<16xf32>
      %parallel_loop3A_213 = arith.index_cast %parallel_loop3A_15 : i32 to index
      %parallel_loop3A_214 = arith.constant 304 : index
      %parallel_loop3A_215 = tpu.vector_load %arg8[%parallel_loop3A_213, %parallel_loop3A_214] {strides = array<i32>} : memref<64x768xf32, #tpu.memory_space<vmem>>, vector<16xf32>,
      tpu.vector_store %arg8[%parallel_loop3A_213, %parallel_loop3A_214], %parallel_loop3A_212 {strides = array<i32>} : memref<64x768xf32, #tpu.memory_space<vmem>>, vector<16xf32>,
      %parallel_loop3A_216 = arith.index_cast %parallel_loop3A_15 : i32 to index
      %parallel_loop3A_217 = arith.constant 320 : index
      %parallel_loop3A_218 = tpu.vector_load %arg8[%parallel_loop3A_216, %parallel_loop3A_217] {strides = array<i32>} : memref<64x768xf32, #tpu.memory_space<vmem>>, vector<16xf32>,
      %parallel_loop3A_219 = arith.index_cast %parallel_loop3A_15 : i32 to index
      %parallel_loop3A_220 = arith.constant 320 : index
      %parallel_loop3A_221 = tpu.vector_load %arg9[%parallel_loop3A_219, %parallel_loop3A_220] {strides = array<i32>} : memref<64x768xf32, #tpu.memory_space<vmem>>, vector<16xf32>,
      %parallel_loop3A_222 = arith.addf %parallel_loop3A_218, %parallel_loop3A_221 : vector<16xf32>
      %parallel_loop3A_223 = arith.index_cast %parallel_loop3A_15 : i32 to index
      %parallel_loop3A_224 = arith.constant 320 : index
      %parallel_loop3A_225 = tpu.vector_load %arg8[%parallel_loop3A_223, %parallel_loop3A_224] {strides = array<i32>} : memref<64x768xf32, #tpu.memory_space<vmem>>, vector<16xf32>,
      tpu.vector_store %arg8[%parallel_loop3A_223, %parallel_loop3A_224], %parallel_loop3A_222 {strides = array<i32>} : memref<64x768xf32, #tpu.memory_space<vmem>>, vector<16xf32>,
      %parallel_loop3A_226 = arith.index_cast %parallel_loop3A_15 : i32 to index
      %parallel_loop3A_227 = arith.constant 336 : index
      %parallel_loop3A_228 = tpu.vector_load %arg8[%parallel_loop3A_226, %parallel_loop3A_227] {strides = array<i32>} : memref<64x768xf32, #tpu.memory_space<vmem>>, vector<16xf32>,
      %parallel_loop3A_229 = arith.index_cast %parallel_loop3A_15 : i32 to index
      %parallel_loop3A_230 = arith.constant 336 : index
      %parallel_loop3A_231 = tpu.vector_load %arg9[%parallel_loop3A_229, %parallel_loop3A_230] {strides = array<i32>} : memref<64x768xf32, #tpu.memory_space<vmem>>, vector<16xf32>,
      %parallel_loop3A_232 = arith.addf %parallel_loop3A_228, %parallel_loop3A_231 : vector<16xf32>
      %parallel_loop3A_233 = arith.index_cast %parallel_loop3A_15 : i32 to index
      %parallel_loop3A_234 = arith.constant 336 : index
      %parallel_loop3A_235 = tpu.vector_load %arg8[%parallel_loop3A_233, %parallel_loop3A_234] {strides = array<i32>} : memref<64x768xf32, #tpu.memory_space<vmem>>, vector<16xf32>,
      tpu.vector_store %arg8[%parallel_loop3A_233, %parallel_loop3A_234], %parallel_loop3A_232 {strides = array<i32>} : memref<64x768xf32, #tpu.memory_space<vmem>>, vector<16xf32>,
      %parallel_loop3A_236 = arith.index_cast %parallel_loop3A_15 : i32 to index
      %parallel_loop3A_237 = arith.constant 352 : index
      %parallel_loop3A_238 = tpu.vector_load %arg8[%parallel_loop3A_236, %parallel_loop3A_237] {strides = array<i32>} : memref<64x768xf32, #tpu.memory_space<vmem>>, vector<16xf32>,
      %parallel_loop3A_239 = arith.index_cast %parallel_loop3A_15 : i32 to index
      %parallel_loop3A_240 = arith.constant 352 : index
      %parallel_loop3A_241 = tpu.vector_load %arg9[%parallel_loop3A_239, %parallel_loop3A_240] {strides = array<i32>} : memref<64x768xf32, #tpu.memory_space<vmem>>, vector<16xf32>,
      %parallel_loop3A_242 = arith.addf %parallel_loop3A_238, %parallel_loop3A_241 : vector<16xf32>
      %parallel_loop3A_243 = arith.index_cast %parallel_loop3A_15 : i32 to index
      %parallel_loop3A_244 = arith.constant 352 : index
      %parallel_loop3A_245 = tpu.vector_load %arg8[%parallel_loop3A_243, %parallel_loop3A_244] {strides = array<i32>} : memref<64x768xf32, #tpu.memory_space<vmem>>, vector<16xf32>,
      tpu.vector_store %arg8[%parallel_loop3A_243, %parallel_loop3A_244], %parallel_loop3A_242 {strides = array<i32>} : memref<64x768xf32, #tpu.memory_space<vmem>>, vector<16xf32>,
      %parallel_loop3A_246 = arith.index_cast %parallel_loop3A_15 : i32 to index
      %parallel_loop3A_247 = arith.constant 368 : index
      %parallel_loop3A_248 = tpu.vector_load %arg8[%parallel_loop3A_246, %parallel_loop3A_247] {strides = array<i32>} : memref<64x768xf32, #tpu.memory_space<vmem>>, vector<16xf32>,
      %parallel_loop3A_249 = arith.index_cast %parallel_loop3A_15 : i32 to index
      %parallel_loop3A_250 = arith.constant 368 : index
      %parallel_loop3A_251 = tpu.vector_load %arg9[%parallel_loop3A_249, %parallel_loop3A_250] {strides = array<i32>} : memref<64x768xf32, #tpu.memory_space<vmem>>, vector<16xf32>,
      %parallel_loop3A_252 = arith.addf %parallel_loop3A_248, %parallel_loop3A_251 : vector<16xf32>
      %parallel_loop3A_253 = arith.index_cast %parallel_loop3A_15 : i32 to index
      %parallel_loop3A_254 = arith.constant 368 : index
      %parallel_loop3A_255 = tpu.vector_load %arg8[%parallel_loop3A_253, %parallel_loop3A_254] {strides = array<i32>} : memref<64x768xf32, #tpu.memory_space<vmem>>, vector<16xf32>,
      tpu.vector_store %arg8[%parallel_loop3A_253, %parallel_loop3A_254], %parallel_loop3A_252 {strides = array<i32>} : memref<64x768xf32, #tpu.memory_space<vmem>>, vector<16xf32>,
      %parallel_loop3A_256 = arith.index_cast %parallel_loop3A_15 : i32 to index
      %parallel_loop3A_257 = arith.constant 384 : index
      %parallel_loop3A_258 = tpu.vector_load %arg8[%parallel_loop3A_256, %parallel_loop3A_257] {strides = array<i32>} : memref<64x768xf32, #tpu.memory_space<vmem>>, vector<16xf32>,
      %parallel_loop3A_259 = arith.index_cast %parallel_loop3A_15 : i32 to index
      %parallel_loop3A_260 = arith.constant 384 : index
      %parallel_loop3A_261 = tpu.vector_load %arg9[%parallel_loop3A_259, %parallel_loop3A_260] {strides = array<i32>} : memref<64x768xf32, #tpu.memory_space<vmem>>, vector<16xf32>,
      %parallel_loop3A_262 = arith.addf %parallel_loop3A_258, %parallel_loop3A_261 : vector<16xf32>
      %parallel_loop3A_263 = arith.index_cast %parallel_loop3A_15 : i32 to index
      %parallel_loop3A_264 = arith.constant 384 : index
      %parallel_loop3A_265 = tpu.vector_load %arg8[%parallel_loop3A_263, %parallel_loop3A_264] {strides = array<i32>} : memref<64x768xf32, #tpu.memory_space<vmem>>, vector<16xf32>,
      tpu.vector_store %arg8[%parallel_loop3A_263, %parallel_loop3A_264], %parallel_loop3A_262 {strides = array<i32>} : memref<64x768xf32, #tpu.memory_space<vmem>>, vector<16xf32>,
      %parallel_loop3A_266 = arith.index_cast %parallel_loop3A_15 : i32 to index
      %parallel_loop3A_267 = arith.constant 400 : index
      %parallel_loop3A_268 = tpu.vector_load %arg8[%parallel_loop3A_266, %parallel_loop3A_267] {strides = array<i32>} : memref<64x768xf32, #tpu.memory_space<vmem>>, vector<16xf32>,
      %parallel_loop3A_269 = arith.index_cast %parallel_loop3A_15 : i32 to index
      %parallel_loop3A_270 = arith.constant 400 : index
      %parallel_loop3A_271 = tpu.vector_load %arg9[%parallel_loop3A_269, %parallel_loop3A_270] {strides = array<i32>} : memref<64x768xf32, #tpu.memory_space<vmem>>, vector<16xf32>,
      %parallel_loop3A_272 = arith.addf %parallel_loop3A_268, %parallel_loop3A_271 : vector<16xf32>
      %parallel_loop3A_273 = arith.index_cast %parallel_loop3A_15 : i32 to index
      %parallel_loop3A_274 = arith.constant 400 : index
      %parallel_loop3A_275 = tpu.vector_load %arg8[%parallel_loop3A_273, %parallel_loop3A_274] {strides = array<i32>} : memref<64x768xf32, #tpu.memory_space<vmem>>, vector<16xf32>,
      tpu.vector_store %arg8[%parallel_loop3A_273, %parallel_loop3A_274], %parallel_loop3A_272 {strides = array<i32>} : memref<64x768xf32, #tpu.memory_space<vmem>>, vector<16xf32>,
      %parallel_loop3A_276 = arith.index_cast %parallel_loop3A_15 : i32 to index
      %parallel_loop3A_277 = arith.constant 416 : index
      %parallel_loop3A_278 = tpu.vector_load %arg8[%parallel_loop3A_276, %parallel_loop3A_277] {strides = array<i32>} : memref<64x768xf32, #tpu.memory_space<vmem>>, vector<16xf32>,
      %parallel_loop3A_279 = arith.index_cast %parallel_loop3A_15 : i32 to index
      %parallel_loop3A_280 = arith.constant 416 : index
      %parallel_loop3A_281 = tpu.vector_load %arg9[%parallel_loop3A_279, %parallel_loop3A_280] {strides = array<i32>} : memref<64x768xf32, #tpu.memory_space<vmem>>, vector<16xf32>,
      %parallel_loop3A_282 = arith.addf %parallel_loop3A_278, %parallel_loop3A_281 : vector<16xf32>
      %parallel_loop3A_283 = arith.index_cast %parallel_loop3A_15 : i32 to index
      %parallel_loop3A_284 = arith.constant 416 : index
      %parallel_loop3A_285 = tpu.vector_load %arg8[%parallel_loop3A_283, %parallel_loop3A_284] {strides = array<i32>} : memref<64x768xf32, #tpu.memory_space<vmem>>, vector<16xf32>,
      tpu.vector_store %arg8[%parallel_loop3A_283, %parallel_loop3A_284], %parallel_loop3A_282 {strides = array<i32>} : memref<64x768xf32, #tpu.memory_space<vmem>>, vector<16xf32>,
      %parallel_loop3A_286 = arith.index_cast %parallel_loop3A_15 : i32 to index
      %parallel_loop3A_287 = arith.constant 432 : index
      %parallel_loop3A_288 = tpu.vector_load %arg8[%parallel_loop3A_286, %parallel_loop3A_287] {strides = array<i32>} : memref<64x768xf32, #tpu.memory_space<vmem>>, vector<16xf32>,
      %parallel_loop3A_289 = arith.index_cast %parallel_loop3A_15 : i32 to index
      %parallel_loop3A_290 = arith.constant 432 : index
      %parallel_loop3A_291 = tpu.vector_load %arg9[%parallel_loop3A_289, %parallel_loop3A_290] {strides = array<i32>} : memref<64x768xf32, #tpu.memory_space<vmem>>, vector<16xf32>,
      %parallel_loop3A_292 = arith.addf %parallel_loop3A_288, %parallel_loop3A_291 : vector<16xf32>
      %parallel_loop3A_293 = arith.index_cast %parallel_loop3A_15 : i32 to index
      %parallel_loop3A_294 = arith.constant 432 : index
      %parallel_loop3A_295 = tpu.vector_load %arg8[%parallel_loop3A_293, %parallel_loop3A_294] {strides = array<i32>} : memref<64x768xf32, #tpu.memory_space<vmem>>, vector<16xf32>,
      tpu.vector_store %arg8[%parallel_loop3A_293, %parallel_loop3A_294], %parallel_loop3A_292 {strides = array<i32>} : memref<64x768xf32, #tpu.memory_space<vmem>>, vector<16xf32>,
      %parallel_loop3A_296 = arith.index_cast %parallel_loop3A_15 : i32 to index
      %parallel_loop3A_297 = arith.constant 448 : index
      %parallel_loop3A_298 = tpu.vector_load %arg8[%parallel_loop3A_296, %parallel_loop3A_297] {strides = array<i32>} : memref<64x768xf32, #tpu.memory_space<vmem>>, vector<16xf32>,
      %parallel_loop3A_299 = arith.index_cast %parallel_loop3A_15 : i32 to index
      %parallel_loop3A_300 = arith.constant 448 : index
      %parallel_loop3A_301 = tpu.vector_load %arg9[%parallel_loop3A_299, %parallel_loop3A_300] {strides = array<i32>} : memref<64x768xf32, #tpu.memory_space<vmem>>, vector<16xf32>,
      %parallel_loop3A_302 = arith.addf %parallel_loop3A_298, %parallel_loop3A_301 : vector<16xf32>
      %parallel_loop3A_303 = arith.index_cast %parallel_loop3A_15 : i32 to index
      %parallel_loop3A_304 = arith.constant 448 : index
      %parallel_loop3A_305 = tpu.vector_load %arg8[%parallel_loop3A_303, %parallel_loop3A_304] {strides = array<i32>} : memref<64x768xf32, #tpu.memory_space<vmem>>, vector<16xf32>,
      tpu.vector_store %arg8[%parallel_loop3A_303, %parallel_loop3A_304], %parallel_loop3A_302 {strides = array<i32>} : memref<64x768xf32, #tpu.memory_space<vmem>>, vector<16xf32>,
      %parallel_loop3A_306 = arith.index_cast %parallel_loop3A_15 : i32 to index
      %parallel_loop3A_307 = arith.constant 464 : index
      %parallel_loop3A_308 = tpu.vector_load %arg8[%parallel_loop3A_306, %parallel_loop3A_307] {strides = array<i32>} : memref<64x768xf32, #tpu.memory_space<vmem>>, vector<16xf32>,
      %parallel_loop3A_309 = arith.index_cast %parallel_loop3A_15 : i32 to index
      %parallel_loop3A_310 = arith.constant 464 : index
      %parallel_loop3A_311 = tpu.vector_load %arg9[%parallel_loop3A_309, %parallel_loop3A_310] {strides = array<i32>} : memref<64x768xf32, #tpu.memory_space<vmem>>, vector<16xf32>,
      %parallel_loop3A_312 = arith.addf %parallel_loop3A_308, %parallel_loop3A_311 : vector<16xf32>
      %parallel_loop3A_313 = arith.index_cast %parallel_loop3A_15 : i32 to index
      %parallel_loop3A_314 = arith.constant 464 : index
      %parallel_loop3A_315 = tpu.vector_load %arg8[%parallel_loop3A_313, %parallel_loop3A_314] {strides = array<i32>} : memref<64x768xf32, #tpu.memory_space<vmem>>, vector<16xf32>,
      tpu.vector_store %arg8[%parallel_loop3A_313, %parallel_loop3A_314], %parallel_loop3A_312 {strides = array<i32>} : memref<64x768xf32, #tpu.memory_space<vmem>>, vector<16xf32>,
      %parallel_loop3A_316 = arith.index_cast %parallel_loop3A_15 : i32 to index
      %parallel_loop3A_317 = arith.constant 480 : index
      %parallel_loop3A_318 = tpu.vector_load %arg8[%parallel_loop3A_316, %parallel_loop3A_317] {strides = array<i32>} : memref<64x768xf32, #tpu.memory_space<vmem>>, vector<16xf32>,
      %parallel_loop3A_319 = arith.index_cast %parallel_loop3A_15 : i32 to index
      %parallel_loop3A_320 = arith.constant 480 : index
      %parallel_loop3A_321 = tpu.vector_load %arg9[%parallel_loop3A_319, %parallel_loop3A_320] {strides = array<i32>} : memref<64x768xf32, #tpu.memory_space<vmem>>, vector<16xf32>,
      %parallel_loop3A_322 = arith.addf %parallel_loop3A_318, %parallel_loop3A_321 : vector<16xf32>
      %parallel_loop3A_323 = arith.index_cast %parallel_loop3A_15 : i32 to index
      %parallel_loop3A_324 = arith.constant 480 : index
      %parallel_loop3A_325 = tpu.vector_load %arg8[%parallel_loop3A_323, %parallel_loop3A_324] {strides = array<i32>} : memref<64x768xf32, #tpu.memory_space<vmem>>, vector<16xf32>,
      tpu.vector_store %arg8[%parallel_loop3A_323, %parallel_loop3A_324], %parallel_loop3A_322 {strides = array<i32>} : memref<64x768xf32, #tpu.memory_space<vmem>>, vector<16xf32>,
      %parallel_loop3A_326 = arith.index_cast %parallel_loop3A_15 : i32 to index
      %parallel_loop3A_327 = arith.constant 496 : index
      %parallel_loop3A_328 = tpu.vector_load %arg8[%parallel_loop3A_326, %parallel_loop3A_327] {strides = array<i32>} : memref<64x768xf32, #tpu.memory_space<vmem>>, vector<16xf32>,
      %parallel_loop3A_329 = arith.index_cast %parallel_loop3A_15 : i32 to index
      %parallel_loop3A_330 = arith.constant 496 : index
      %parallel_loop3A_331 = tpu.vector_load %arg9[%parallel_loop3A_329, %parallel_loop3A_330] {strides = array<i32>} : memref<64x768xf32, #tpu.memory_space<vmem>>, vector<16xf32>,
      %parallel_loop3A_332 = arith.addf %parallel_loop3A_328, %parallel_loop3A_331 : vector<16xf32>
      %parallel_loop3A_333 = arith.index_cast %parallel_loop3A_15 : i32 to index
      %parallel_loop3A_334 = arith.constant 496 : index
      %parallel_loop3A_335 = tpu.vector_load %arg8[%parallel_loop3A_333, %parallel_loop3A_334] {strides = array<i32>} : memref<64x768xf32, #tpu.memory_space<vmem>>, vector<16xf32>,
      tpu.vector_store %arg8[%parallel_loop3A_333, %parallel_loop3A_334], %parallel_loop3A_332 {strides = array<i32>} : memref<64x768xf32, #tpu.memory_space<vmem>>, vector<16xf32>,
      %parallel_loop3A_336 = arith.index_cast %parallel_loop3A_15 : i32 to index
      %parallel_loop3A_337 = arith.constant 512 : index
      %parallel_loop3A_338 = tpu.vector_load %arg8[%parallel_loop3A_336, %parallel_loop3A_337] {strides = array<i32>} : memref<64x768xf32, #tpu.memory_space<vmem>>, vector<16xf32>,
      %parallel_loop3A_339 = arith.index_cast %parallel_loop3A_15 : i32 to index
      %parallel_loop3A_340 = arith.constant 512 : index
      %parallel_loop3A_341 = tpu.vector_load %arg9[%parallel_loop3A_339, %parallel_loop3A_340] {strides = array<i32>} : memref<64x768xf32, #tpu.memory_space<vmem>>, vector<16xf32>,
      %parallel_loop3A_342 = arith.addf %parallel_loop3A_338, %parallel_loop3A_341 : vector<16xf32>
      %parallel_loop3A_343 = arith.index_cast %parallel_loop3A_15 : i32 to index
      %parallel_loop3A_344 = arith.constant 512 : index
      %parallel_loop3A_345 = tpu.vector_load %arg8[%parallel_loop3A_343, %parallel_loop3A_344] {strides = array<i32>} : memref<64x768xf32, #tpu.memory_space<vmem>>, vector<16xf32>,
      tpu.vector_store %arg8[%parallel_loop3A_343, %parallel_loop3A_344], %parallel_loop3A_342 {strides = array<i32>} : memref<64x768xf32, #tpu.memory_space<vmem>>, vector<16xf32>,
      %parallel_loop3A_346 = arith.index_cast %parallel_loop3A_15 : i32 to index
      %parallel_loop3A_347 = arith.constant 528 : index
      %parallel_loop3A_348 = tpu.vector_load %arg8[%parallel_loop3A_346, %parallel_loop3A_347] {strides = array<i32>} : memref<64x768xf32, #tpu.memory_space<vmem>>, vector<16xf32>,
      %parallel_loop3A_349 = arith.index_cast %parallel_loop3A_15 : i32 to index
      %parallel_loop3A_350 = arith.constant 528 : index
      %parallel_loop3A_351 = tpu.vector_load %arg9[%parallel_loop3A_349, %parallel_loop3A_350] {strides = array<i32>} : memref<64x768xf32, #tpu.memory_space<vmem>>, vector<16xf32>,
      %parallel_loop3A_352 = arith.addf %parallel_loop3A_348, %parallel_loop3A_351 : vector<16xf32>
      %parallel_loop3A_353 = arith.index_cast %parallel_loop3A_15 : i32 to index
      %parallel_loop3A_354 = arith.constant 528 : index
      %parallel_loop3A_355 = tpu.vector_load %arg8[%parallel_loop3A_353, %parallel_loop3A_354] {strides = array<i32>} : memref<64x768xf32, #tpu.memory_space<vmem>>, vector<16xf32>,
      tpu.vector_store %arg8[%parallel_loop3A_353, %parallel_loop3A_354], %parallel_loop3A_352 {strides = array<i32>} : memref<64x768xf32, #tpu.memory_space<vmem>>, vector<16xf32>,
      %parallel_loop3A_356 = arith.index_cast %parallel_loop3A_15 : i32 to index
      %parallel_loop3A_357 = arith.constant 544 : index
      %parallel_loop3A_358 = tpu.vector_load %arg8[%parallel_loop3A_356, %parallel_loop3A_357] {strides = array<i32>} : memref<64x768xf32, #tpu.memory_space<vmem>>, vector<16xf32>,
      %parallel_loop3A_359 = arith.index_cast %parallel_loop3A_15 : i32 to index
      %parallel_loop3A_360 = arith.constant 544 : index
      %parallel_loop3A_361 = tpu.vector_load %arg9[%parallel_loop3A_359, %parallel_loop3A_360] {strides = array<i32>} : memref<64x768xf32, #tpu.memory_space<vmem>>, vector<16xf32>,
      %parallel_loop3A_362 = arith.addf %parallel_loop3A_358, %parallel_loop3A_361 : vector<16xf32>
      %parallel_loop3A_363 = arith.index_cast %parallel_loop3A_15 : i32 to index
      %parallel_loop3A_364 = arith.constant 544 : index
      %parallel_loop3A_365 = tpu.vector_load %arg8[%parallel_loop3A_363, %parallel_loop3A_364] {strides = array<i32>} : memref<64x768xf32, #tpu.memory_space<vmem>>, vector<16xf32>,
      tpu.vector_store %arg8[%parallel_loop3A_363, %parallel_loop3A_364], %parallel_loop3A_362 {strides = array<i32>} : memref<64x768xf32, #tpu.memory_space<vmem>>, vector<16xf32>,
      %parallel_loop3A_366 = arith.index_cast %parallel_loop3A_15 : i32 to index
      %parallel_loop3A_367 = arith.constant 560 : index
      %parallel_loop3A_368 = tpu.vector_load %arg8[%parallel_loop3A_366, %parallel_loop3A_367] {strides = array<i32>} : memref<64x768xf32, #tpu.memory_space<vmem>>, vector<16xf32>,
      %parallel_loop3A_369 = arith.index_cast %parallel_loop3A_15 : i32 to index
      %parallel_loop3A_370 = arith.constant 560 : index
      %parallel_loop3A_371 = tpu.vector_load %arg9[%parallel_loop3A_369, %parallel_loop3A_370] {strides = array<i32>} : memref<64x768xf32, #tpu.memory_space<vmem>>, vector<16xf32>,
      %parallel_loop3A_372 = arith.addf %parallel_loop3A_368, %parallel_loop3A_371 : vector<16xf32>
      %parallel_loop3A_373 = arith.index_cast %parallel_loop3A_15 : i32 to index
      %parallel_loop3A_374 = arith.constant 560 : index
      %parallel_loop3A_375 = tpu.vector_load %arg8[%parallel_loop3A_373, %parallel_loop3A_374] {strides = array<i32>} : memref<64x768xf32, #tpu.memory_space<vmem>>, vector<16xf32>,
      tpu.vector_store %arg8[%parallel_loop3A_373, %parallel_loop3A_374], %parallel_loop3A_372 {strides = array<i32>} : memref<64x768xf32, #tpu.memory_space<vmem>>, vector<16xf32>,
      %parallel_loop3A_376 = arith.index_cast %parallel_loop3A_15 : i32 to index
      %parallel_loop3A_377 = arith.constant 576 : index
      %parallel_loop3A_378 = tpu.vector_load %arg8[%parallel_loop3A_376, %parallel_loop3A_377] {strides = array<i32>} : memref<64x768xf32, #tpu.memory_space<vmem>>, vector<16xf32>,
      %parallel_loop3A_379 = arith.index_cast %parallel_loop3A_15 : i32 to index
      %parallel_loop3A_380 = arith.constant 576 : index
      %parallel_loop3A_381 = tpu.vector_load %arg9[%parallel_loop3A_379, %parallel_loop3A_380] {strides = array<i32>} : memref<64x768xf32, #tpu.memory_space<vmem>>, vector<16xf32>,
      %parallel_loop3A_382 = arith.addf %parallel_loop3A_378, %parallel_loop3A_381 : vector<16xf32>
      %parallel_loop3A_383 = arith.index_cast %parallel_loop3A_15 : i32 to index
      %parallel_loop3A_384 = arith.constant 576 : index
      %parallel_loop3A_385 = tpu.vector_load %arg8[%parallel_loop3A_383, %parallel_loop3A_384] {strides = array<i32>} : memref<64x768xf32, #tpu.memory_space<vmem>>, vector<16xf32>,
      tpu.vector_store %arg8[%parallel_loop3A_383, %parallel_loop3A_384], %parallel_loop3A_382 {strides = array<i32>} : memref<64x768xf32, #tpu.memory_space<vmem>>, vector<16xf32>,
      %parallel_loop3A_386 = arith.index_cast %parallel_loop3A_15 : i32 to index
      %parallel_loop3A_387 = arith.constant 592 : index
      %parallel_loop3A_388 = tpu.vector_load %arg8[%parallel_loop3A_386, %parallel_loop3A_387] {strides = array<i32>} : memref<64x768xf32, #tpu.memory_space<vmem>>, vector<16xf32>,
      %parallel_loop3A_389 = arith.index_cast %parallel_loop3A_15 : i32 to index
      %parallel_loop3A_390 = arith.constant 592 : index
      %parallel_loop3A_391 = tpu.vector_load %arg9[%parallel_loop3A_389, %parallel_loop3A_390] {strides = array<i32>} : memref<64x768xf32, #tpu.memory_space<vmem>>, vector<16xf32>,
      %parallel_loop3A_392 = arith.addf %parallel_loop3A_388, %parallel_loop3A_391 : vector<16xf32>
      %parallel_loop3A_393 = arith.index_cast %parallel_loop3A_15 : i32 to index
      %parallel_loop3A_394 = arith.constant 592 : index
      %parallel_loop3A_395 = tpu.vector_load %arg8[%parallel_loop3A_393, %parallel_loop3A_394] {strides = array<i32>} : memref<64x768xf32, #tpu.memory_space<vmem>>, vector<16xf32>,
      tpu.vector_store %arg8[%parallel_loop3A_393, %parallel_loop3A_394], %parallel_loop3A_392 {strides = array<i32>} : memref<64x768xf32, #tpu.memory_space<vmem>>, vector<16xf32>,
      %parallel_loop3A_396 = arith.index_cast %parallel_loop3A_15 : i32 to index
      %parallel_loop3A_397 = arith.constant 608 : index
      %parallel_loop3A_398 = tpu.vector_load %arg8[%parallel_loop3A_396, %parallel_loop3A_397] {strides = array<i32>} : memref<64x768xf32, #tpu.memory_space<vmem>>, vector<16xf32>,
      %parallel_loop3A_399 = arith.index_cast %parallel_loop3A_15 : i32 to index
      %parallel_loop3A_400 = arith.constant 608 : index
      %parallel_loop3A_401 = tpu.vector_load %arg9[%parallel_loop3A_399, %parallel_loop3A_400] {strides = array<i32>} : memref<64x768xf32, #tpu.memory_space<vmem>>, vector<16xf32>,
      %parallel_loop3A_402 = arith.addf %parallel_loop3A_398, %parallel_loop3A_401 : vector<16xf32>
      %parallel_loop3A_403 = arith.index_cast %parallel_loop3A_15 : i32 to index
      %parallel_loop3A_404 = arith.constant 608 : index
      %parallel_loop3A_405 = tpu.vector_load %arg8[%parallel_loop3A_403, %parallel_loop3A_404] {strides = array<i32>} : memref<64x768xf32, #tpu.memory_space<vmem>>, vector<16xf32>,
      tpu.vector_store %arg8[%parallel_loop3A_403, %parallel_loop3A_404], %parallel_loop3A_402 {strides = array<i32>} : memref<64x768xf32, #tpu.memory_space<vmem>>, vector<16xf32>,
      %parallel_loop3A_406 = arith.index_cast %parallel_loop3A_15 : i32 to index
      %parallel_loop3A_407 = arith.constant 624 : index
      %parallel_loop3A_408 = tpu.vector_load %arg8[%parallel_loop3A_406, %parallel_loop3A_407] {strides = array<i32>} : memref<64x768xf32, #tpu.memory_space<vmem>>, vector<16xf32>,
      %parallel_loop3A_409 = arith.index_cast %parallel_loop3A_15 : i32 to index
      %parallel_loop3A_410 = arith.constant 624 : index
      %parallel_loop3A_411 = tpu.vector_load %arg9[%parallel_loop3A_409, %parallel_loop3A_410] {strides = array<i32>} : memref<64x768xf32, #tpu.memory_space<vmem>>, vector<16xf32>,
      %parallel_loop3A_412 = arith.addf %parallel_loop3A_408, %parallel_loop3A_411 : vector<16xf32>
      %parallel_loop3A_413 = arith.index_cast %parallel_loop3A_15 : i32 to index
      %parallel_loop3A_414 = arith.constant 624 : index
      %parallel_loop3A_415 = tpu.vector_load %arg8[%parallel_loop3A_413, %parallel_loop3A_414] {strides = array<i32>} : memref<64x768xf32, #tpu.memory_space<vmem>>, vector<16xf32>,
      tpu.vector_store %arg8[%parallel_loop3A_413, %parallel_loop3A_414], %parallel_loop3A_412 {strides = array<i32>} : memref<64x768xf32, #tpu.memory_space<vmem>>, vector<16xf32>,
      %parallel_loop3A_416 = arith.index_cast %parallel_loop3A_15 : i32 to index
      %parallel_loop3A_417 = arith.constant 640 : index
      %parallel_loop3A_418 = tpu.vector_load %arg8[%parallel_loop3A_416, %parallel_loop3A_417] {strides = array<i32>} : memref<64x768xf32, #tpu.memory_space<vmem>>, vector<16xf32>,
      %parallel_loop3A_419 = arith.index_cast %parallel_loop3A_15 : i32 to index
      %parallel_loop3A_420 = arith.constant 640 : index
      %parallel_loop3A_421 = tpu.vector_load %arg9[%parallel_loop3A_419, %parallel_loop3A_420] {strides = array<i32>} : memref<64x768xf32, #tpu.memory_space<vmem>>, vector<16xf32>,
      %parallel_loop3A_422 = arith.addf %parallel_loop3A_418, %parallel_loop3A_421 : vector<16xf32>
      %parallel_loop3A_423 = arith.index_cast %parallel_loop3A_15 : i32 to index
      %parallel_loop3A_424 = arith.constant 640 : index
      %parallel_loop3A_425 = tpu.vector_load %arg8[%parallel_loop3A_423, %parallel_loop3A_424] {strides = array<i32>} : memref<64x768xf32, #tpu.memory_space<vmem>>, vector<16xf32>,
      tpu.vector_store %arg8[%parallel_loop3A_423, %parallel_loop3A_424], %parallel_loop3A_422 {strides = array<i32>} : memref<64x768xf32, #tpu.memory_space<vmem>>, vector<16xf32>,
      %parallel_loop3A_426 = arith.index_cast %parallel_loop3A_15 : i32 to index
      %parallel_loop3A_427 = arith.constant 656 : index
      %parallel_loop3A_428 = tpu.vector_load %arg8[%parallel_loop3A_426, %parallel_loop3A_427] {strides = array<i32>} : memref<64x768xf32, #tpu.memory_space<vmem>>, vector<16xf32>,
      %parallel_loop3A_429 = arith.index_cast %parallel_loop3A_15 : i32 to index
      %parallel_loop3A_430 = arith.constant 656 : index
      %parallel_loop3A_431 = tpu.vector_load %arg9[%parallel_loop3A_429, %parallel_loop3A_430] {strides = array<i32>} : memref<64x768xf32, #tpu.memory_space<vmem>>, vector<16xf32>,
      %parallel_loop3A_432 = arith.addf %parallel_loop3A_428, %parallel_loop3A_431 : vector<16xf32>
      %parallel_loop3A_433 = arith.index_cast %parallel_loop3A_15 : i32 to index
      %parallel_loop3A_434 = arith.constant 656 : index
      %parallel_loop3A_435 = tpu.vector_load %arg8[%parallel_loop3A_433, %parallel_loop3A_434] {strides = array<i32>} : memref<64x768xf32, #tpu.memory_space<vmem>>, vector<16xf32>,
      tpu.vector_store %arg8[%parallel_loop3A_433, %parallel_loop3A_434], %parallel_loop3A_432 {strides = array<i32>} : memref<64x768xf32, #tpu.memory_space<vmem>>, vector<16xf32>,
      %parallel_loop3A_436 = arith.index_cast %parallel_loop3A_15 : i32 to index
      %parallel_loop3A_437 = arith.constant 672 : index
      %parallel_loop3A_438 = tpu.vector_load %arg8[%parallel_loop3A_436, %parallel_loop3A_437] {strides = array<i32>} : memref<64x768xf32, #tpu.memory_space<vmem>>, vector<16xf32>,
      %parallel_loop3A_439 = arith.index_cast %parallel_loop3A_15 : i32 to index
      %parallel_loop3A_440 = arith.constant 672 : index
      %parallel_loop3A_441 = tpu.vector_load %arg9[%parallel_loop3A_439, %parallel_loop3A_440] {strides = array<i32>} : memref<64x768xf32, #tpu.memory_space<vmem>>, vector<16xf32>,
      %parallel_loop3A_442 = arith.addf %parallel_loop3A_438, %parallel_loop3A_441 : vector<16xf32>
      %parallel_loop3A_443 = arith.index_cast %parallel_loop3A_15 : i32 to index
      %parallel_loop3A_444 = arith.constant 672 : index
      %parallel_loop3A_445 = tpu.vector_load %arg8[%parallel_loop3A_443, %parallel_loop3A_444] {strides = array<i32>} : memref<64x768xf32, #tpu.memory_space<vmem>>, vector<16xf32>,
      tpu.vector_store %arg8[%parallel_loop3A_443, %parallel_loop3A_444], %parallel_loop3A_442 {strides = array<i32>} : memref<64x768xf32, #tpu.memory_space<vmem>>, vector<16xf32>,
      %parallel_loop3A_446 = arith.index_cast %parallel_loop3A_15 : i32 to index
      %parallel_loop3A_447 = arith.constant 688 : index
      %parallel_loop3A_448 = tpu.vector_load %arg8[%parallel_loop3A_446, %parallel_loop3A_447] {strides = array<i32>} : memref<64x768xf32, #tpu.memory_space<vmem>>, vector<16xf32>,
      %parallel_loop3A_449 = arith.index_cast %parallel_loop3A_15 : i32 to index
      %parallel_loop3A_450 = arith.constant 688 : index
      %parallel_loop3A_451 = tpu.vector_load %arg9[%parallel_loop3A_449, %parallel_loop3A_450] {strides = array<i32>} : memref<64x768xf32, #tpu.memory_space<vmem>>, vector<16xf32>,
      %parallel_loop3A_452 = arith.addf %parallel_loop3A_448, %parallel_loop3A_451 : vector<16xf32>
      %parallel_loop3A_453 = arith.index_cast %parallel_loop3A_15 : i32 to index
      %parallel_loop3A_454 = arith.constant 688 : index
      %parallel_loop3A_455 = tpu.vector_load %arg8[%parallel_loop3A_453, %parallel_loop3A_454] {strides = array<i32>} : memref<64x768xf32, #tpu.memory_space<vmem>>, vector<16xf32>,
      tpu.vector_store %arg8[%parallel_loop3A_453, %parallel_loop3A_454], %parallel_loop3A_452 {strides = array<i32>} : memref<64x768xf32, #tpu.memory_space<vmem>>, vector<16xf32>,
      %parallel_loop3A_456 = arith.index_cast %parallel_loop3A_15 : i32 to index
      %parallel_loop3A_457 = arith.constant 704 : index
      %parallel_loop3A_458 = tpu.vector_load %arg8[%parallel_loop3A_456, %parallel_loop3A_457] {strides = array<i32>} : memref<64x768xf32, #tpu.memory_space<vmem>>, vector<16xf32>,
      %parallel_loop3A_459 = arith.index_cast %parallel_loop3A_15 : i32 to index
      %parallel_loop3A_460 = arith.constant 704 : index
      %parallel_loop3A_461 = tpu.vector_load %arg9[%parallel_loop3A_459, %parallel_loop3A_460] {strides = array<i32>} : memref<64x768xf32, #tpu.memory_space<vmem>>, vector<16xf32>,
      %parallel_loop3A_462 = arith.addf %parallel_loop3A_458, %parallel_loop3A_461 : vector<16xf32>
      %parallel_loop3A_463 = arith.index_cast %parallel_loop3A_15 : i32 to index
      %parallel_loop3A_464 = arith.constant 704 : index
      %parallel_loop3A_465 = tpu.vector_load %arg8[%parallel_loop3A_463, %parallel_loop3A_464] {strides = array<i32>} : memref<64x768xf32, #tpu.memory_space<vmem>>, vector<16xf32>,
      tpu.vector_store %arg8[%parallel_loop3A_463, %parallel_loop3A_464], %parallel_loop3A_462 {strides = array<i32>} : memref<64x768xf32, #tpu.memory_space<vmem>>, vector<16xf32>,
      %parallel_loop3A_466 = arith.index_cast %parallel_loop3A_15 : i32 to index
      %parallel_loop3A_467 = arith.constant 720 : index
      %parallel_loop3A_468 = tpu.vector_load %arg8[%parallel_loop3A_466, %parallel_loop3A_467] {strides = array<i32>} : memref<64x768xf32, #tpu.memory_space<vmem>>, vector<16xf32>,
      %parallel_loop3A_469 = arith.index_cast %parallel_loop3A_15 : i32 to index
      %parallel_loop3A_470 = arith.constant 720 : index
      %parallel_loop3A_471 = tpu.vector_load %arg9[%parallel_loop3A_469, %parallel_loop3A_470] {strides = array<i32>} : memref<64x768xf32, #tpu.memory_space<vmem>>, vector<16xf32>,
      %parallel_loop3A_472 = arith.addf %parallel_loop3A_468, %parallel_loop3A_471 : vector<16xf32>
      %parallel_loop3A_473 = arith.index_cast %parallel_loop3A_15 : i32 to index
      %parallel_loop3A_474 = arith.constant 720 : index
      %parallel_loop3A_475 = tpu.vector_load %arg8[%parallel_loop3A_473, %parallel_loop3A_474] {strides = array<i32>} : memref<64x768xf32, #tpu.memory_space<vmem>>, vector<16xf32>,
      tpu.vector_store %arg8[%parallel_loop3A_473, %parallel_loop3A_474], %parallel_loop3A_472 {strides = array<i32>} : memref<64x768xf32, #tpu.memory_space<vmem>>, vector<16xf32>,
      %parallel_loop3A_476 = arith.index_cast %parallel_loop3A_15 : i32 to index
      %parallel_loop3A_477 = arith.constant 736 : index
      %parallel_loop3A_478 = tpu.vector_load %arg8[%parallel_loop3A_476, %parallel_loop3A_477] {strides = array<i32>} : memref<64x768xf32, #tpu.memory_space<vmem>>, vector<16xf32>,
      %parallel_loop3A_479 = arith.index_cast %parallel_loop3A_15 : i32 to index
      %parallel_loop3A_480 = arith.constant 736 : index
      %parallel_loop3A_481 = tpu.vector_load %arg9[%parallel_loop3A_479, %parallel_loop3A_480] {strides = array<i32>} : memref<64x768xf32, #tpu.memory_space<vmem>>, vector<16xf32>,
      %parallel_loop3A_482 = arith.addf %parallel_loop3A_478, %parallel_loop3A_481 : vector<16xf32>
      %parallel_loop3A_483 = arith.index_cast %parallel_loop3A_15 : i32 to index
      %parallel_loop3A_484 = arith.constant 736 : index
      %parallel_loop3A_485 = tpu.vector_load %arg8[%parallel_loop3A_483, %parallel_loop3A_484] {strides = array<i32>} : memref<64x768xf32, #tpu.memory_space<vmem>>, vector<16xf32>,
      tpu.vector_store %arg8[%parallel_loop3A_483, %parallel_loop3A_484], %parallel_loop3A_482 {strides = array<i32>} : memref<64x768xf32, #tpu.memory_space<vmem>>, vector<16xf32>,
      %parallel_loop3A_486 = arith.index_cast %parallel_loop3A_15 : i32 to index
      %parallel_loop3A_487 = arith.constant 752 : index
      %parallel_loop3A_488 = tpu.vector_load %arg8[%parallel_loop3A_486, %parallel_loop3A_487] {strides = array<i32>} : memref<64x768xf32, #tpu.memory_space<vmem>>, vector<16xf32>,
      %parallel_loop3A_489 = arith.index_cast %parallel_loop3A_15 : i32 to index
      %parallel_loop3A_490 = arith.constant 752 : index
      %parallel_loop3A_491 = tpu.vector_load %arg9[%parallel_loop3A_489, %parallel_loop3A_490] {strides = array<i32>} : memref<64x768xf32, #tpu.memory_space<vmem>>, vector<16xf32>,
      %parallel_loop3A_492 = arith.addf %parallel_loop3A_488, %parallel_loop3A_491 : vector<16xf32>
      %parallel_loop3A_493 = arith.index_cast %parallel_loop3A_15 : i32 to index
      %parallel_loop3A_494 = arith.constant 752 : index
      %parallel_loop3A_495 = tpu.vector_load %arg8[%parallel_loop3A_493, %parallel_loop3A_494] {strides = array<i32>} : memref<64x768xf32, #tpu.memory_space<vmem>>, vector<16xf32>,
      tpu.vector_store %arg8[%parallel_loop3A_493, %parallel_loop3A_494], %parallel_loop3A_492 {strides = array<i32>} : memref<64x768xf32, #tpu.memory_space<vmem>>, vector<16xf32>,
    } {sc.loop_unroll_factor = 2 : i64, sc.parallel_access}
    "tpu.region"() ({
      %run_scoped3A = tpu.sem_alloc : memref<!tpu.dma_semaphore, #tpu.memory_space<semaphore_mem>>
      %dma_start3A_15 = arith.constant 0 : i32
      %dma_start3A_16 = tpu.memref_slice %arg5[%mul3A_2, %dma_start3A_15] : memref<2048x768xf32, #tpu.memory_space<hbm>> -> memref<64x768xf32, #tpu.memory_space<hbm>>
      %dma_start3A_17 = arith.constant 0 : i32
      %dma_start3A_18 = tpu.memref_slice %arg5[%mul3A_2, %dma_start3A_17] : memref<2048x768xf32, #tpu.memory_space<hbm>> -> memref<64x768xf32, #tpu.memory_space<hbm>>
      tpu.enqueue_dma source(%arg8 : memref<64x768xf32, #tpu.memory_space<vmem>>) target(%dma_start3A_18 : memref<64x768xf32, #tpu.memory_space<hbm>>) target_semaphore(%run_scoped3A : memref<!tpu.dma_semaphore, #tpu.memory_space<semaphore_mem>>)
      %dma_wait3A_19 = arith.constant 0 : i32
      %dma_wait3A_20 = tpu.memref_slice %arg5[%mul3A_2, %dma_wait3A_19] : memref<2048x768xf32, #tpu.memory_space<hbm>> -> memref<64x768xf32, #tpu.memory_space<hbm>>
      %dma_wait3A_21 = arith.constant 0 : i32
      %dma_wait3A_22 = tpu.memref_slice %arg5[%mul3A_2, %dma_wait3A_21] : memref<2048x768xf32, #tpu.memory_space<hbm>> -> memref<64x768xf32, #tpu.memory_space<hbm>>
      tpu.wait_dma2 semaphore(%run_scoped3A : memref<!tpu.dma_semaphore, #tpu.memory_space<semaphore_mem>>) src(%arg8 : memref<64x768xf32, #tpu.memory_space<vmem>>) dst(%dma_wait3A_22 : memref<64x768xf32, #tpu.memory_space<hbm>>)
      tpu.yield
    }) : () -> ()
    return
  }
}

#map = affine_map<(d0, d1) -> (0, 0)>
#map1 = affine_map<(d0, d1) -> (0)>
module attributes {stable_mosaic.version = 14 : i64} {
  func.func @k(%arg0: i32, %arg1: i32, %arg2: memref<2048x768xf32, #tpu.memory_space<hbm>>, %arg3: memref<2048xi32, #tpu.memory_space<hbm>>, %arg4: memref<2048xi32, #tpu.memory_space<hbm>>, %arg5: memref<4096xf32, #tpu.memory_space<hbm>>, %arg6: memref<4096x768xf32, #tpu.memory_space<hbm>>, %arg7: memref<4096x128xf32, #tpu.memory_space<hbm>>, %arg8: memref<64x768xf32, #tpu.memory_space<vmem>>, %arg9: memref<64xi32, #tpu.memory_space<vmem>>, %arg10: memref<64xi32, #tpu.memory_space<vmem>>, %arg11: memref<128xf32, #tpu.memory_space<vmem>>, %arg12: memref<128x128xf32, #tpu.memory_space<vmem>>, %arg13: memref<128xi32, #tpu.memory_space<vmem>>, %arg14: memref<!tpu.dma_semaphore, #tpu.memory_space<semaphore_mem>>) attributes {dimension_semantics = [#tpu.dimension_semantics<core_parallel>, #tpu.dimension_semantics<subcore_parallel>], iteration_bounds = array<i64: 2, 16>, scalar_prefetch = 0 : i64, scratch_operands = 7 : i64, tpu.core_type = #tpu.core_type<sc_vector_subcore>, window_params = [{transform_indices = #map}, {transform_indices = #map1}, {transform_indices = #map1}, {transform_indices = #map1}, {transform_indices = #map}, {transform_indices = #map}]} {
    %mul3A = arith.constant 16 : i32
    %mul3A_0 = arith.muli %arg0, %mul3A : i32
    %add3A = arith.addi %mul3A_0, %arg1 : i32
    %mul3A_1 = arith.constant 64 : i32
    %mul3A_2 = arith.muli %add3A, %mul3A_1 : i32
    %mul3A_3 = arith.constant 128 : i32
    %mul3A_4 = arith.muli %add3A, %mul3A_3 : i32
    %dma_start3A = arith.constant 0 : i32
    %dma_start3A_5 = tpu.memref_slice %arg2[%mul3A_2, %dma_start3A] : memref<2048x768xf32, #tpu.memory_space<hbm>> -> memref<64x768xf32, #tpu.memory_space<hbm>>
    %dma_start3A_6 = arith.constant 0 : i32
    %dma_start3A_7 = tpu.memref_slice %arg2[%mul3A_2, %dma_start3A_6] : memref<2048x768xf32, #tpu.memory_space<hbm>> -> memref<64x768xf32, #tpu.memory_space<hbm>>
    tpu.enqueue_dma source(%dma_start3A_7 : memref<64x768xf32, #tpu.memory_space<hbm>>) target(%arg8 : memref<64x768xf32, #tpu.memory_space<vmem>>) target_semaphore(%arg14 : memref<!tpu.dma_semaphore, #tpu.memory_space<semaphore_mem>>)
    %dma_start3A_8 = tpu.memref_slice %arg3[%mul3A_2] : memref<2048xi32, #tpu.memory_space<hbm>> -> memref<64xi32, #tpu.memory_space<hbm>>
    %dma_start3A_9 = tpu.memref_slice %arg3[%mul3A_2] : memref<2048xi32, #tpu.memory_space<hbm>> -> memref<64xi32, #tpu.memory_space<hbm>>
    tpu.enqueue_dma source(%dma_start3A_9 : memref<64xi32, #tpu.memory_space<hbm>>) target(%arg9 : memref<64xi32, #tpu.memory_space<vmem>>) target_semaphore(%arg14 : memref<!tpu.dma_semaphore, #tpu.memory_space<semaphore_mem>>)
    %dma_start3A_10 = tpu.memref_slice %arg4[%mul3A_2] : memref<2048xi32, #tpu.memory_space<hbm>> -> memref<64xi32, #tpu.memory_space<hbm>>
    %dma_start3A_11 = tpu.memref_slice %arg4[%mul3A_2] : memref<2048xi32, #tpu.memory_space<hbm>> -> memref<64xi32, #tpu.memory_space<hbm>>
    tpu.enqueue_dma source(%dma_start3A_11 : memref<64xi32, #tpu.memory_space<hbm>>) target(%arg10 : memref<64xi32, #tpu.memory_space<vmem>>) target_semaphore(%arg14 : memref<!tpu.dma_semaphore, #tpu.memory_space<semaphore_mem>>)
    %dma_start3A_12 = tpu.memref_slice %arg5[%mul3A_4] : memref<4096xf32, #tpu.memory_space<hbm>> -> memref<128xf32, #tpu.memory_space<hbm>>
    %dma_start3A_13 = tpu.memref_slice %arg5[%mul3A_4] : memref<4096xf32, #tpu.memory_space<hbm>> -> memref<128xf32, #tpu.memory_space<hbm>>
    tpu.enqueue_dma source(%dma_start3A_13 : memref<128xf32, #tpu.memory_space<hbm>>) target(%arg11 : memref<128xf32, #tpu.memory_space<vmem>>) target_semaphore(%arg14 : memref<!tpu.dma_semaphore, #tpu.memory_space<semaphore_mem>>)
    %dma_wait3A = arith.constant 0 : i32
    %dma_wait3A_14 = tpu.memref_slice %arg2[%mul3A_2, %dma_wait3A] : memref<2048x768xf32, #tpu.memory_space<hbm>> -> memref<64x768xf32, #tpu.memory_space<hbm>>
    %dma_wait3A_15 = arith.constant 0 : i32
    %dma_wait3A_16 = tpu.memref_slice %arg2[%mul3A_2, %dma_wait3A_15] : memref<2048x768xf32, #tpu.memory_space<hbm>> -> memref<64x768xf32, #tpu.memory_space<hbm>>
    tpu.wait_dma2 semaphore(%arg14 : memref<!tpu.dma_semaphore, #tpu.memory_space<semaphore_mem>>) src(%dma_wait3A_16 : memref<64x768xf32, #tpu.memory_space<hbm>>) dst(%arg8 : memref<64x768xf32, #tpu.memory_space<vmem>>)
    %dma_wait3A_17 = tpu.memref_slice %arg3[%mul3A_2] : memref<2048xi32, #tpu.memory_space<hbm>> -> memref<64xi32, #tpu.memory_space<hbm>>
    %dma_wait3A_18 = tpu.memref_slice %arg3[%mul3A_2] : memref<2048xi32, #tpu.memory_space<hbm>> -> memref<64xi32, #tpu.memory_space<hbm>>
    tpu.wait_dma2 semaphore(%arg14 : memref<!tpu.dma_semaphore, #tpu.memory_space<semaphore_mem>>) src(%dma_wait3A_18 : memref<64xi32, #tpu.memory_space<hbm>>) dst(%arg9 : memref<64xi32, #tpu.memory_space<vmem>>)
    %dma_wait3A_19 = tpu.memref_slice %arg4[%mul3A_2] : memref<2048xi32, #tpu.memory_space<hbm>> -> memref<64xi32, #tpu.memory_space<hbm>>
    %dma_wait3A_20 = tpu.memref_slice %arg4[%mul3A_2] : memref<2048xi32, #tpu.memory_space<hbm>> -> memref<64xi32, #tpu.memory_space<hbm>>
    tpu.wait_dma2 semaphore(%arg14 : memref<!tpu.dma_semaphore, #tpu.memory_space<semaphore_mem>>) src(%dma_wait3A_20 : memref<64xi32, #tpu.memory_space<hbm>>) dst(%arg10 : memref<64xi32, #tpu.memory_space<vmem>>)
    %dma_wait3A_21 = tpu.memref_slice %arg5[%mul3A_4] : memref<4096xf32, #tpu.memory_space<hbm>> -> memref<128xf32, #tpu.memory_space<hbm>>
    %dma_wait3A_22 = tpu.memref_slice %arg5[%mul3A_4] : memref<4096xf32, #tpu.memory_space<hbm>> -> memref<128xf32, #tpu.memory_space<hbm>>
    tpu.wait_dma2 semaphore(%arg14 : memref<!tpu.dma_semaphore, #tpu.memory_space<semaphore_mem>>) src(%dma_wait3A_22 : memref<128xf32, #tpu.memory_space<hbm>>) dst(%arg11 : memref<128xf32, #tpu.memory_space<vmem>>)
    %iota3A = tpu.iota {dimensions = array<i32: 0>} : vector<16xi32>
    %broadcast_in_dim3A = arith.constant 0 : i32
    %broadcast_in_dim3A_23 = vector.broadcast %broadcast_in_dim3A : i32 to vector<16xi32>
    %add3A_24 = arith.constant 0 : i32
    %add3A_25 = vector.broadcast %add3A_24 : i32 to vector<16xi32>
    %add3A_26 = arith.addi %add3A_25, %iota3A : vector<16xi32>
    %get3A = arith.constant 0 : index
    %get3A_27 = tpu.vector_load %arg11[%get3A] {strides = array<i32>} : memref<128xf32, #tpu.memory_space<vmem>>, vector<16xf32>,
    tpu.vector_store_idx %arg12[%add3A_26, %broadcast_in_dim3A_23], %get3A_27 : memref<128x128xf32, #tpu.memory_space<vmem>>[vector<16xi32>, vector<16xi32>], vector<16xf32>,
    %add3A_28 = arith.constant 16 : i32
    %add3A_29 = vector.broadcast %add3A_28 : i32 to vector<16xi32>
    %add3A_30 = arith.addi %add3A_29, %iota3A : vector<16xi32>
    %get3A_31 = arith.constant 16 : index
    %get3A_32 = tpu.vector_load %arg11[%get3A_31] {strides = array<i32>} : memref<128xf32, #tpu.memory_space<vmem>>, vector<16xf32>,
    tpu.vector_store_idx %arg12[%add3A_30, %broadcast_in_dim3A_23], %get3A_32 : memref<128x128xf32, #tpu.memory_space<vmem>>[vector<16xi32>, vector<16xi32>], vector<16xf32>,
    %add3A_33 = arith.constant 32 : i32
    %add3A_34 = vector.broadcast %add3A_33 : i32 to vector<16xi32>
    %add3A_35 = arith.addi %add3A_34, %iota3A : vector<16xi32>
    %get3A_36 = arith.constant 32 : index
    %get3A_37 = tpu.vector_load %arg11[%get3A_36] {strides = array<i32>} : memref<128xf32, #tpu.memory_space<vmem>>, vector<16xf32>,
    tpu.vector_store_idx %arg12[%add3A_35, %broadcast_in_dim3A_23], %get3A_37 : memref<128x128xf32, #tpu.memory_space<vmem>>[vector<16xi32>, vector<16xi32>], vector<16xf32>,
    %add3A_38 = arith.constant 48 : i32
    %add3A_39 = vector.broadcast %add3A_38 : i32 to vector<16xi32>
    %add3A_40 = arith.addi %add3A_39, %iota3A : vector<16xi32>
    %get3A_41 = arith.constant 48 : index
    %get3A_42 = tpu.vector_load %arg11[%get3A_41] {strides = array<i32>} : memref<128xf32, #tpu.memory_space<vmem>>, vector<16xf32>,
    tpu.vector_store_idx %arg12[%add3A_40, %broadcast_in_dim3A_23], %get3A_42 : memref<128x128xf32, #tpu.memory_space<vmem>>[vector<16xi32>, vector<16xi32>], vector<16xf32>,
    %add3A_43 = arith.constant 64 : i32
    %add3A_44 = vector.broadcast %add3A_43 : i32 to vector<16xi32>
    %add3A_45 = arith.addi %add3A_44, %iota3A : vector<16xi32>
    %get3A_46 = arith.constant 64 : index
    %get3A_47 = tpu.vector_load %arg11[%get3A_46] {strides = array<i32>} : memref<128xf32, #tpu.memory_space<vmem>>, vector<16xf32>,
    tpu.vector_store_idx %arg12[%add3A_45, %broadcast_in_dim3A_23], %get3A_47 : memref<128x128xf32, #tpu.memory_space<vmem>>[vector<16xi32>, vector<16xi32>], vector<16xf32>,
    %add3A_48 = arith.constant 80 : i32
    %add3A_49 = vector.broadcast %add3A_48 : i32 to vector<16xi32>
    %add3A_50 = arith.addi %add3A_49, %iota3A : vector<16xi32>
    %get3A_51 = arith.constant 80 : index
    %get3A_52 = tpu.vector_load %arg11[%get3A_51] {strides = array<i32>} : memref<128xf32, #tpu.memory_space<vmem>>, vector<16xf32>,
    tpu.vector_store_idx %arg12[%add3A_50, %broadcast_in_dim3A_23], %get3A_52 : memref<128x128xf32, #tpu.memory_space<vmem>>[vector<16xi32>, vector<16xi32>], vector<16xf32>,
    %add3A_53 = arith.constant 96 : i32
    %add3A_54 = vector.broadcast %add3A_53 : i32 to vector<16xi32>
    %add3A_55 = arith.addi %add3A_54, %iota3A : vector<16xi32>
    %get3A_56 = arith.constant 96 : index
    %get3A_57 = tpu.vector_load %arg11[%get3A_56] {strides = array<i32>} : memref<128xf32, #tpu.memory_space<vmem>>, vector<16xf32>,
    tpu.vector_store_idx %arg12[%add3A_55, %broadcast_in_dim3A_23], %get3A_57 : memref<128x128xf32, #tpu.memory_space<vmem>>[vector<16xi32>, vector<16xi32>], vector<16xf32>,
    %add3A_58 = arith.constant 112 : i32
    %add3A_59 = vector.broadcast %add3A_58 : i32 to vector<16xi32>
    %add3A_60 = arith.addi %add3A_59, %iota3A : vector<16xi32>
    %get3A_61 = arith.constant 112 : index
    %get3A_62 = tpu.vector_load %arg11[%get3A_61] {strides = array<i32>} : memref<128xf32, #tpu.memory_space<vmem>>, vector<16xf32>,
    tpu.vector_store_idx %arg12[%add3A_60, %broadcast_in_dim3A_23], %get3A_62 : memref<128x128xf32, #tpu.memory_space<vmem>>[vector<16xi32>, vector<16xi32>], vector<16xf32>,
    %add3A_63 = arith.constant 0 : i32
    %add3A_64 = vector.broadcast %add3A_63 : i32 to vector<16xi32>
    %add3A_65 = arith.addi %add3A_64, %iota3A : vector<16xi32>
    %mul3A_66 = arith.constant 2 : i32
    %mul3A_67 = vector.broadcast %mul3A_66 : i32 to vector<16xi32>
    %mul3A_68 = arith.muli %mul3A_67, %add3A_65 : vector<16xi32>
    %get3A_69 = arith.constant 0 : index
    %get3A_70 = tpu.vector_load %arg9[%get3A_69] {strides = array<i32>} : memref<64xi32, #tpu.memory_space<vmem>>, vector<16xi32>,
    tpu.vector_store_idx %arg13[%mul3A_68], %get3A_70 : memref<128xi32, #tpu.memory_space<vmem>>[vector<16xi32>], vector<16xi32>,
    %add3A_71 = arith.constant 0 : i32
    %add3A_72 = vector.broadcast %add3A_71 : i32 to vector<16xi32>
    %add3A_73 = arith.addi %add3A_72, %iota3A : vector<16xi32>
    %mul3A_74 = arith.constant 2 : i32
    %mul3A_75 = vector.broadcast %mul3A_74 : i32 to vector<16xi32>
    %mul3A_76 = arith.muli %mul3A_75, %add3A_73 : vector<16xi32>
    %add3A_77 = arith.constant 1 : i32
    %add3A_78 = vector.broadcast %add3A_77 : i32 to vector<16xi32>
    %add3A_79 = arith.addi %mul3A_76, %add3A_78 : vector<16xi32>
    %get3A_80 = arith.constant 0 : index
    %get3A_81 = tpu.vector_load %arg10[%get3A_80] {strides = array<i32>} : memref<64xi32, #tpu.memory_space<vmem>>, vector<16xi32>,
    tpu.vector_store_idx %arg13[%add3A_79], %get3A_81 : memref<128xi32, #tpu.memory_space<vmem>>[vector<16xi32>], vector<16xi32>,
    %add3A_82 = arith.constant 16 : i32
    %add3A_83 = vector.broadcast %add3A_82 : i32 to vector<16xi32>
    %add3A_84 = arith.addi %add3A_83, %iota3A : vector<16xi32>
    %mul3A_85 = arith.constant 2 : i32
    %mul3A_86 = vector.broadcast %mul3A_85 : i32 to vector<16xi32>
    %mul3A_87 = arith.muli %mul3A_86, %add3A_84 : vector<16xi32>
    %get3A_88 = arith.constant 16 : index
    %get3A_89 = tpu.vector_load %arg9[%get3A_88] {strides = array<i32>} : memref<64xi32, #tpu.memory_space<vmem>>, vector<16xi32>,
    tpu.vector_store_idx %arg13[%mul3A_87], %get3A_89 : memref<128xi32, #tpu.memory_space<vmem>>[vector<16xi32>], vector<16xi32>,
    %add3A_90 = arith.constant 16 : i32
    %add3A_91 = vector.broadcast %add3A_90 : i32 to vector<16xi32>
    %add3A_92 = arith.addi %add3A_91, %iota3A : vector<16xi32>
    %mul3A_93 = arith.constant 2 : i32
    %mul3A_94 = vector.broadcast %mul3A_93 : i32 to vector<16xi32>
    %mul3A_95 = arith.muli %mul3A_94, %add3A_92 : vector<16xi32>
    %add3A_96 = arith.constant 1 : i32
    %add3A_97 = vector.broadcast %add3A_96 : i32 to vector<16xi32>
    %add3A_98 = arith.addi %mul3A_95, %add3A_97 : vector<16xi32>
    %get3A_99 = arith.constant 16 : index
    %get3A_100 = tpu.vector_load %arg10[%get3A_99] {strides = array<i32>} : memref<64xi32, #tpu.memory_space<vmem>>, vector<16xi32>,
    tpu.vector_store_idx %arg13[%add3A_98], %get3A_100 : memref<128xi32, #tpu.memory_space<vmem>>[vector<16xi32>], vector<16xi32>,
    %add3A_101 = arith.constant 32 : i32
    %add3A_102 = vector.broadcast %add3A_101 : i32 to vector<16xi32>
    %add3A_103 = arith.addi %add3A_102, %iota3A : vector<16xi32>
    %mul3A_104 = arith.constant 2 : i32
    %mul3A_105 = vector.broadcast %mul3A_104 : i32 to vector<16xi32>
    %mul3A_106 = arith.muli %mul3A_105, %add3A_103 : vector<16xi32>
    %get3A_107 = arith.constant 32 : index
    %get3A_108 = tpu.vector_load %arg9[%get3A_107] {strides = array<i32>} : memref<64xi32, #tpu.memory_space<vmem>>, vector<16xi32>,
    tpu.vector_store_idx %arg13[%mul3A_106], %get3A_108 : memref<128xi32, #tpu.memory_space<vmem>>[vector<16xi32>], vector<16xi32>,
    %add3A_109 = arith.constant 32 : i32
    %add3A_110 = vector.broadcast %add3A_109 : i32 to vector<16xi32>
    %add3A_111 = arith.addi %add3A_110, %iota3A : vector<16xi32>
    %mul3A_112 = arith.constant 2 : i32
    %mul3A_113 = vector.broadcast %mul3A_112 : i32 to vector<16xi32>
    %mul3A_114 = arith.muli %mul3A_113, %add3A_111 : vector<16xi32>
    %add3A_115 = arith.constant 1 : i32
    %add3A_116 = vector.broadcast %add3A_115 : i32 to vector<16xi32>
    %add3A_117 = arith.addi %mul3A_114, %add3A_116 : vector<16xi32>
    %get3A_118 = arith.constant 32 : index
    %get3A_119 = tpu.vector_load %arg10[%get3A_118] {strides = array<i32>} : memref<64xi32, #tpu.memory_space<vmem>>, vector<16xi32>,
    tpu.vector_store_idx %arg13[%add3A_117], %get3A_119 : memref<128xi32, #tpu.memory_space<vmem>>[vector<16xi32>], vector<16xi32>,
    %add3A_120 = arith.constant 48 : i32
    %add3A_121 = vector.broadcast %add3A_120 : i32 to vector<16xi32>
    %add3A_122 = arith.addi %add3A_121, %iota3A : vector<16xi32>
    %mul3A_123 = arith.constant 2 : i32
    %mul3A_124 = vector.broadcast %mul3A_123 : i32 to vector<16xi32>
    %mul3A_125 = arith.muli %mul3A_124, %add3A_122 : vector<16xi32>
    %get3A_126 = arith.constant 48 : index
    %get3A_127 = tpu.vector_load %arg9[%get3A_126] {strides = array<i32>} : memref<64xi32, #tpu.memory_space<vmem>>, vector<16xi32>,
    tpu.vector_store_idx %arg13[%mul3A_125], %get3A_127 : memref<128xi32, #tpu.memory_space<vmem>>[vector<16xi32>], vector<16xi32>,
    %add3A_128 = arith.constant 48 : i32
    %add3A_129 = vector.broadcast %add3A_128 : i32 to vector<16xi32>
    %add3A_130 = arith.addi %add3A_129, %iota3A : vector<16xi32>
    %mul3A_131 = arith.constant 2 : i32
    %mul3A_132 = vector.broadcast %mul3A_131 : i32 to vector<16xi32>
    %mul3A_133 = arith.muli %mul3A_132, %add3A_130 : vector<16xi32>
    %add3A_134 = arith.constant 1 : i32
    %add3A_135 = vector.broadcast %add3A_134 : i32 to vector<16xi32>
    %add3A_136 = arith.addi %mul3A_133, %add3A_135 : vector<16xi32>
    %get3A_137 = arith.constant 48 : index
    %get3A_138 = tpu.vector_load %arg10[%get3A_137] {strides = array<i32>} : memref<64xi32, #tpu.memory_space<vmem>>, vector<16xi32>,
    tpu.vector_store_idx %arg13[%add3A_136], %get3A_138 : memref<128xi32, #tpu.memory_space<vmem>>[vector<16xi32>], vector<16xi32>,
    %dma_start3A_139 = arith.constant 0 : i32
    %dma_start3A_140 = arith.constant 0 : i32
    %dma_start3A_141 = tpu.memref_slice %arg6[%dma_start3A_139, %dma_start3A_140] : memref<4096x768xf32, #tpu.memory_space<hbm>> -> memref<4096x768xf32, #tpu.memory_space<hbm>>
    tpu.enqueue_indirect_dma source(%arg8 : memref<64x768xf32, #tpu.memory_space<vmem>>) target(%dma_start3A_141 : memref<4096x768xf32, #tpu.memory_space<hbm>>) offsets(%arg9 : memref<64xi32, #tpu.memory_space<vmem>>) semaphore(%arg14 : memref<!tpu.dma_semaphore, #tpu.memory_space<semaphore_mem>>)
    %dma_start3A_142 = arith.constant 0 : i32
    %dma_start3A_143 = arith.constant 0 : i32
    %dma_start3A_144 = tpu.memref_slice %arg6[%dma_start3A_142, %dma_start3A_143] : memref<4096x768xf32, #tpu.memory_space<hbm>> -> memref<4096x768xf32, #tpu.memory_space<hbm>>
    tpu.enqueue_indirect_dma source(%arg8 : memref<64x768xf32, #tpu.memory_space<vmem>>) target(%dma_start3A_144 : memref<4096x768xf32, #tpu.memory_space<hbm>>) offsets(%arg10 : memref<64xi32, #tpu.memory_space<vmem>>) semaphore(%arg14 : memref<!tpu.dma_semaphore, #tpu.memory_space<semaphore_mem>>)
    %dma_start3A_145 = arith.constant 0 : i32
    %dma_start3A_146 = arith.constant 0 : i32
    %dma_start3A_147 = tpu.memref_slice %arg7[%dma_start3A_145, %dma_start3A_146] : memref<4096x128xf32, #tpu.memory_space<hbm>> -> memref<4096x128xf32, #tpu.memory_space<hbm>>
    tpu.enqueue_indirect_dma source(%arg12 : memref<128x128xf32, #tpu.memory_space<vmem>>) target(%dma_start3A_147 : memref<4096x128xf32, #tpu.memory_space<hbm>>) offsets(%arg13 : memref<128xi32, #tpu.memory_space<vmem>>) semaphore(%arg14 : memref<!tpu.dma_semaphore, #tpu.memory_space<semaphore_mem>>)
    %dma_wait3A_148 = arith.constant 0 : i32
    %dma_wait3A_149 = arith.constant 0 : i32
    %dma_wait3A_150 = tpu.memref_slice %arg6[%dma_wait3A_148, %dma_wait3A_149] : memref<4096x768xf32, #tpu.memory_space<hbm>> -> memref<4096x768xf32, #tpu.memory_space<hbm>>
    tpu.wait_indirect_dma semaphore(%arg14 : memref<!tpu.dma_semaphore, #tpu.memory_space<semaphore_mem>>) src(%arg8 : memref<64x768xf32, #tpu.memory_space<vmem>>) dst(%dma_wait3A_150 : memref<4096x768xf32, #tpu.memory_space<hbm>>)
    %dma_wait3A_151 = arith.constant 0 : i32
    %dma_wait3A_152 = arith.constant 0 : i32
    %dma_wait3A_153 = tpu.memref_slice %arg6[%dma_wait3A_151, %dma_wait3A_152] : memref<4096x768xf32, #tpu.memory_space<hbm>> -> memref<4096x768xf32, #tpu.memory_space<hbm>>
    tpu.wait_indirect_dma semaphore(%arg14 : memref<!tpu.dma_semaphore, #tpu.memory_space<semaphore_mem>>) src(%arg8 : memref<64x768xf32, #tpu.memory_space<vmem>>) dst(%dma_wait3A_153 : memref<4096x768xf32, #tpu.memory_space<hbm>>)
    %dma_wait3A_154 = arith.constant 0 : i32
    %dma_wait3A_155 = arith.constant 0 : i32
    %dma_wait3A_156 = tpu.memref_slice %arg7[%dma_wait3A_154, %dma_wait3A_155] : memref<4096x128xf32, #tpu.memory_space<hbm>> -> memref<4096x128xf32, #tpu.memory_space<hbm>>
    tpu.wait_indirect_dma semaphore(%arg14 : memref<!tpu.dma_semaphore, #tpu.memory_space<semaphore_mem>>) src(%arg12 : memref<128x128xf32, #tpu.memory_space<vmem>>) dst(%dma_wait3A_156 : memref<4096x128xf32, #tpu.memory_space<hbm>>)
    return
  }
}

module attributes {stable_mosaic.version = 14 : i64} {
  func.func @body(%arg0: i32, %arg1: memref<15xi32, #tpu.memory_space<smem>>, %arg2: memref<15xi32, #tpu.memory_space<smem>>, %arg3: memref<15xi32, #tpu.memory_space<smem>>, %arg4: memref<15xi32, #tpu.memory_space<smem>>, %arg5: memref<15xi32, #tpu.memory_space<smem>>, %arg6: memref<512x768xf32, #tpu.memory_space<vmem>>, %arg7: memref<512x128xf32, #tpu.memory_space<vmem>>, %arg8: memref<1x768x1536xf32, #tpu.memory_space<vmem>>, %arg9: memref<1x1x1536xf32, #tpu.memory_space<vmem>>, %arg10: memref<1x1536x768xf32, #tpu.memory_space<vmem>>, %arg11: memref<1x1x768xf32, #tpu.memory_space<vmem>>, %arg12: memref<512x768xf32, #tpu.memory_space<vmem>>) attributes {dimension_semantics = [#tpu.dimension_semantics<arbitrary>], iteration_bounds = array<i64: 15>, scalar_prefetch = 5 : i64, scratch_operands = 0 : i64, tpu.core_type = #tpu.core_type<tc>, window_params = [{transform_indices = @transform_0, window_bounds = array<i64: 512, 768>}, {transform_indices = @transform_1, window_bounds = array<i64: 512, 128>}, {transform_indices = @transform_2, window_bounds = array<i64: 1, 768, 1536>}, {transform_indices = @transform_3, window_bounds = array<i64: 1, 1, 1536>}, {transform_indices = @transform_4, window_bounds = array<i64: 1, 1536, 768>}, {transform_indices = @transform_5, window_bounds = array<i64: 1, 1, 768>}, {transform_indices = @transform_6, window_bounds = array<i64: 512, 768>}]} {
    %get3A = arith.index_cast %arg0 : i32 to index
    %get3A_0 = memref.load %arg5[%get3A] : memref<15xi32, #tpu.memory_space<smem>>
    %eq3A = arith.constant 1 : i32
    %eq3A_1 = arith.cmpi eq, %get3A_0, %eq3A : i32
    %convert_element_type3A = arith.extui %eq3A_1 : i1 to i32
    %cond3A = arith.constant 0 : i32
    %cond3A_2 = arith.cmpi ne, %convert_element_type3A, %cond3A : i32
    scf.if %cond3A_2 {
      %broadcast_in_dim3A = arith.constant 0.000000e+00 : f32
      %broadcast_in_dim3A_10 = vector.broadcast %broadcast_in_dim3A : f32 to vector<512x768xf32>
      %swap3A = arith.constant 0 : index
      %swap3A_11 = arith.constant 0 : index
      %swap3A_12 = vector.load %arg12[%swap3A, %swap3A_11] : memref<512x768xf32, #tpu.memory_space<vmem>>, vector<512x768xf32>
      tpu.vector_store %arg12[%swap3A, %swap3A_11], %broadcast_in_dim3A_10 {strides = array<i32>} : memref<512x768xf32, #tpu.memory_space<vmem>>, vector<512x768xf32>,
    } else {
    }
    %get3A_3 = arith.index_cast %arg0 : i32 to index
    %get3A_4 = memref.load %arg3[%get3A_3] : memref<15xi32, #tpu.memory_space<smem>>
    %get3A_5 = arith.index_cast %arg0 : i32 to index
    %get3A_6 = memref.load %arg4[%get3A_5] : memref<15xi32, #tpu.memory_space<smem>>
    %gt3A = arith.cmpi sgt, %get3A_6, %get3A_4 : i32
    %convert_element_type3A_7 = arith.extui %gt3A : i1 to i32
    %cond3A_8 = arith.constant 0 : i32
    %cond3A_9 = arith.cmpi ne, %convert_element_type3A_7, %cond3A_8 : i32
    scf.if %cond3A_9 {
      %get3A_10 = arith.constant 0 : index
      %get3A_11 = arith.constant 0 : index
      %get3A_12 = vector.load %arg6[%get3A_10, %get3A_11] : memref<512x768xf32, #tpu.memory_space<vmem>>, vector<512x768xf32>
      %get3A_13 = arith.constant 0 : index
      %get3A_14 = arith.constant 0 : index
      %get3A_15 = arith.constant 0 : index
      %get3A_16 = vector.load %arg8[%get3A_13, %get3A_14, %get3A_15] : memref<1x768x1536xf32, #tpu.memory_space<vmem>>, vector<1x768x1536xf32>
      %get3A_17 = vector.shape_cast %get3A_16 : vector<1x768x1536xf32> to vector<768x1536xf32>
      %dot_general3A = arith.constant dense<0.000000e+00> : vector<512x1536xf32>
      %dot_general3A_18 = tpu.matmul %get3A_12, %get3A_17, %dot_general3A {dimension_numbers = #tpu.dot_dimension_numbers<[1], [0], [0], [1], [0, 0, 1, 1], [], []>, transpose_lhs_hint = false} : vector<512x768xf32>, vector<768x1536xf32>, vector<512x1536xf32> -> vector<512x1536xf32>
      %get3A_19 = arith.constant 0 : index
      %get3A_20 = arith.constant 0 : index
      %get3A_21 = arith.constant 0 : index
      %get3A_22 = vector.load %arg9[%get3A_19, %get3A_20, %get3A_21] : memref<1x1x1536xf32, #tpu.memory_space<vmem>>, vector<1x1x1536xf32>
      %get3A_23 = vector.shape_cast %get3A_22 : vector<1x1x1536xf32> to vector<1x1536xf32>
      %add3A = vector.broadcast %get3A_23 : vector<1x1536xf32> to vector<512x1536xf32>
      %add3A_24 = arith.addf %dot_general3A_18, %add3A : vector<512x1536xf32>
      %integer_pow3A = arith.mulf %add3A_24, %add3A_24 : vector<512x1536xf32>
      %integer_pow3A_25 = arith.mulf %add3A_24, %integer_pow3A : vector<512x1536xf32>
      %mul3A = arith.constant 4.471500e-02 : f32
      %mul3A_26 = vector.broadcast %mul3A : f32 to vector<512x1536xf32>
      %mul3A_27 = arith.mulf %mul3A_26, %integer_pow3A_25 : vector<512x1536xf32>
      %add3A_28 = arith.addf %add3A_24, %mul3A_27 : vector<512x1536xf32>
      %mul3A_29 = arith.constant 0.797884583 : f32
      %mul3A_30 = vector.broadcast %mul3A_29 : f32 to vector<512x1536xf32>
      %mul3A_31 = arith.mulf %mul3A_30, %add3A_28 : vector<512x1536xf32>
      %tanh3A = math.tanh %mul3A_31 : vector<512x1536xf32>
      %add3A_32 = arith.constant 1.000000e+00 : f32
      %add3A_33 = vector.broadcast %add3A_32 : f32 to vector<512x1536xf32>
      %add3A_34 = arith.addf %add3A_33, %tanh3A : vector<512x1536xf32>
      %mul3A_35 = arith.constant 5.000000e-01 : f32
      %mul3A_36 = vector.broadcast %mul3A_35 : f32 to vector<512x1536xf32>
      %mul3A_37 = arith.mulf %mul3A_36, %add3A_34 : vector<512x1536xf32>
      %mul3A_38 = arith.mulf %add3A_24, %mul3A_37 : vector<512x1536xf32>
      %get3A_39 = arith.constant 0 : index
      %get3A_40 = arith.constant 0 : index
      %get3A_41 = arith.constant 0 : index
      %get3A_42 = vector.load %arg10[%get3A_39, %get3A_40, %get3A_41] : memref<1x1536x768xf32, #tpu.memory_space<vmem>>, vector<1x1536x768xf32>
      %get3A_43 = vector.shape_cast %get3A_42 : vector<1x1536x768xf32> to vector<1536x768xf32>
      %dot_general3A_44 = arith.constant dense<0.000000e+00> : vector<512x768xf32>
      %dot_general3A_45 = tpu.matmul %mul3A_38, %get3A_43, %dot_general3A_44 {dimension_numbers = #tpu.dot_dimension_numbers<[1], [0], [0], [1], [0, 0, 1, 1], [], []>, transpose_lhs_hint = false} : vector<512x1536xf32>, vector<1536x768xf32>, vector<512x768xf32> -> vector<512x768xf32>
      %get3A_46 = arith.constant 0 : index
      %get3A_47 = arith.constant 0 : index
      %get3A_48 = arith.constant 0 : index
      %get3A_49 = vector.load %arg11[%get3A_46, %get3A_47, %get3A_48] : memref<1x1x768xf32, #tpu.memory_space<vmem>>, vector<1x1x768xf32>
      %get3A_50 = vector.shape_cast %get3A_49 : vector<1x1x768xf32> to vector<1x768xf32>
      %add3A_51 = vector.broadcast %get3A_50 : vector<1x768xf32> to vector<512x768xf32>
      %add3A_52 = arith.addf %dot_general3A_45, %add3A_51 : vector<512x768xf32>
      %iota3A = tpu.iota {dimensions = array<i32: 0>} : vector<512x1xi32>
      %ge3A = vector.broadcast %get3A_4 : i32 to vector<512x1xi32>
      %ge3A_53 = arith.cmpi sge, %iota3A, %ge3A : vector<512x1xi32>
      %lt3A = vector.broadcast %get3A_6 : i32 to vector<512x1xi32>
      %lt3A_54 = arith.cmpi slt, %iota3A, %lt3A : vector<512x1xi32>
      %and3A = arith.andi %ge3A_53, %lt3A_54 : vector<512x1xi1>
      %get3A_55 = arith.constant 0 : index
      %get3A_56 = arith.constant 0 : index
      %get3A_57 = vector.load %arg7[%get3A_55, %get3A_56] : memref<512x128xf32, #tpu.memory_space<vmem>>, vector<512x1xf32>
      %jit3A = arith.constant 0.000000e+00 : f32
      %broadcast_in_dim3A = vector.broadcast %jit3A : f32 to vector<512x1xf32>
      %select_n3A = arith.select %and3A, %get3A_57, %broadcast_in_dim3A : vector<512x1xi1>, vector<512x1xf32>
      %get3A_58 = arith.constant 0 : index
      %get3A_59 = arith.constant 0 : index
      %get3A_60 = vector.load %arg12[%get3A_58, %get3A_59] : memref<512x768xf32, #tpu.memory_space<vmem>>, vector<512x768xf32>
      %mul3A_61 = vector.broadcast %select_n3A : vector<512x1xf32> to vector<512x768xf32>
      %mul3A_62 = arith.mulf %add3A_52, %mul3A_61 : vector<512x768xf32>
      %add3A_63 = arith.addf %get3A_60, %mul3A_62 : vector<512x768xf32>
      %swap3A = arith.constant 0 : index
      %swap3A_64 = arith.constant 0 : index
      %swap3A_65 = vector.load %arg12[%swap3A, %swap3A_64] : memref<512x768xf32, #tpu.memory_space<vmem>>, vector<512x768xf32>
      tpu.vector_store %arg12[%swap3A, %swap3A_64], %add3A_63 {strides = array<i32>} : memref<512x768xf32, #tpu.memory_space<vmem>>, vector<512x768xf32>,
    } else {
    }
    return
  }
  func.func @transform_0(%arg0: i32, %arg1: memref<15xi32, #tpu.memory_space<smem>>, %arg2: memref<15xi32, #tpu.memory_space<smem>>, %arg3: memref<15xi32, #tpu.memory_space<smem>>, %arg4: memref<15xi32, #tpu.memory_space<smem>>, %arg5: memref<15xi32, #tpu.memory_space<smem>>) -> (i32, i32) {
    %get3A = arith.index_cast %arg0 : i32 to index
    %get3A_0 = memref.load %arg2[%get3A] : memref<15xi32, #tpu.memory_space<smem>>
    %c0_i32 = arith.constant 0 : i32
    %c0_i32_1 = arith.constant 0 : i32
    return %get3A_0, %c0_i32 : i32, i32
  }
  func.func @transform_1(%arg0: i32, %arg1: memref<15xi32, #tpu.memory_space<smem>>, %arg2: memref<15xi32, #tpu.memory_space<smem>>, %arg3: memref<15xi32, #tpu.memory_space<smem>>, %arg4: memref<15xi32, #tpu.memory_space<smem>>, %arg5: memref<15xi32, #tpu.memory_space<smem>>) -> (i32, i32) {
    %get3A = arith.index_cast %arg0 : i32 to index
    %get3A_0 = memref.load %arg2[%get3A] : memref<15xi32, #tpu.memory_space<smem>>
    %c0_i32 = arith.constant 0 : i32
    %c0_i32_1 = arith.constant 0 : i32
    return %get3A_0, %c0_i32 : i32, i32
  }
  func.func @transform_2(%arg0: i32, %arg1: memref<15xi32, #tpu.memory_space<smem>>, %arg2: memref<15xi32, #tpu.memory_space<smem>>, %arg3: memref<15xi32, #tpu.memory_space<smem>>, %arg4: memref<15xi32, #tpu.memory_space<smem>>, %arg5: memref<15xi32, #tpu.memory_space<smem>>) -> (i32, i32, i32) {
    %get3A = arith.index_cast %arg0 : i32 to index
    %get3A_0 = memref.load %arg1[%get3A] : memref<15xi32, #tpu.memory_space<smem>>
    %c0_i32 = arith.constant 0 : i32
    %c0_i32_1 = arith.constant 0 : i32
    %c0_i32_2 = arith.constant 0 : i32
    return %get3A_0, %c0_i32, %c0_i32_1 : i32, i32, i32
  }
  func.func @transform_3(%arg0: i32, %arg1: memref<15xi32, #tpu.memory_space<smem>>, %arg2: memref<15xi32, #tpu.memory_space<smem>>, %arg3: memref<15xi32, #tpu.memory_space<smem>>, %arg4: memref<15xi32, #tpu.memory_space<smem>>, %arg5: memref<15xi32, #tpu.memory_space<smem>>) -> (i32, i32, i32) {
    %get3A = arith.index_cast %arg0 : i32 to index
    %get3A_0 = memref.load %arg1[%get3A] : memref<15xi32, #tpu.memory_space<smem>>
    %c0_i32 = arith.constant 0 : i32
    %c0_i32_1 = arith.constant 0 : i32
    %c0_i32_2 = arith.constant 0 : i32
    return %get3A_0, %c0_i32, %c0_i32_1 : i32, i32, i32
  }
  func.func @transform_4(%arg0: i32, %arg1: memref<15xi32, #tpu.memory_space<smem>>, %arg2: memref<15xi32, #tpu.memory_space<smem>>, %arg3: memref<15xi32, #tpu.memory_space<smem>>, %arg4: memref<15xi32, #tpu.memory_space<smem>>, %arg5: memref<15xi32, #tpu.memory_space<smem>>) -> (i32, i32, i32) {
    %get3A = arith.index_cast %arg0 : i32 to index
    %get3A_0 = memref.load %arg1[%get3A] : memref<15xi32, #tpu.memory_space<smem>>
    %c0_i32 = arith.constant 0 : i32
    %c0_i32_1 = arith.constant 0 : i32
    %c0_i32_2 = arith.constant 0 : i32
    return %get3A_0, %c0_i32, %c0_i32_1 : i32, i32, i32
  }
  func.func @transform_5(%arg0: i32, %arg1: memref<15xi32, #tpu.memory_space<smem>>, %arg2: memref<15xi32, #tpu.memory_space<smem>>, %arg3: memref<15xi32, #tpu.memory_space<smem>>, %arg4: memref<15xi32, #tpu.memory_space<smem>>, %arg5: memref<15xi32, #tpu.memory_space<smem>>) -> (i32, i32, i32) {
    %get3A = arith.index_cast %arg0 : i32 to index
    %get3A_0 = memref.load %arg1[%get3A] : memref<15xi32, #tpu.memory_space<smem>>
    %c0_i32 = arith.constant 0 : i32
    %c0_i32_1 = arith.constant 0 : i32
    %c0_i32_2 = arith.constant 0 : i32
    return %get3A_0, %c0_i32, %c0_i32_1 : i32, i32, i32
  }
  func.func @transform_6(%arg0: i32, %arg1: memref<15xi32, #tpu.memory_space<smem>>, %arg2: memref<15xi32, #tpu.memory_space<smem>>, %arg3: memref<15xi32, #tpu.memory_space<smem>>, %arg4: memref<15xi32, #tpu.memory_space<smem>>, %arg5: memref<15xi32, #tpu.memory_space<smem>>) -> (i32, i32) {
    %get3A = arith.index_cast %arg0 : i32 to index
    %get3A_0 = memref.load %arg2[%get3A] : memref<15xi32, #tpu.memory_space<smem>>
    %c0_i32 = arith.constant 0 : i32
    %c0_i32_1 = arith.constant 0 : i32
    return %get3A_0, %c0_i32 : i32, i32
  }
}

</mosaic_0001>

<sc_bundles>
// kernel: kernel.5.cloned.1.call-start
scs
__scs_entry_jumppad:
0x0: {  	(pc) =	sbr.rel $0x88, $3  }
0x1: {  	(tag) =	ssettag $0x0;
	lr =	simm.s32 $0x1  }
0x2: {  	[smem:$0x3F9A] =	sst lr;
	_ =	strace $0xD0000000  }
0x3: {  	_ = 	snop  }
0x4: {  	_ = 	snop  }
0x5: {  	_ = 	snop  }
0x6: {  	_ = 	snop  }
0x7: {  	_ = 	snop  }
__scs_overlays_trampoline_lowered:
0x8: {  	[smem:$0x3FA9] =	sst s0  }
0x9: {  	[smem:$0x3FAA] =	sst s1  }
0xa: {  	[smem:$0x3FAB] =	sst s2  }
0xb: {  	[smem:$0x3FAC] =	sst s3  }
0xc: {  	[smem:$0x3FAD] =	sst s4  }
0xd: {  	[smem:$0x3FAE] =	sst s5  }
0xe: {  	[smem:$0x3FAF] =	sst s6  }
0xf: {  	[smem:$0x3FB0] =	sst s7  }
0x10: {  	[smem:$0x3FB1] =	sst s8  }
0x11: {  	[smem:$0x3FB2] =	sst s9;
	s0 =	simm.s32 @!p0 $0x0  }
0x12: {  	s1 =	sld [smem:$0x3F98];
	s0 =	simm.s32 @p0 $0x1  }
0x13: {  	[smem:$0x3FB3] =	sst s0;
	s0 =	simm.s32 @!p1 $0x0  }
0x14: {  	s2 =	sld [smem:$0x3F97];
	s0 =	simm.s32 @p1 $0x1  }
0x15: {  	[smem:$0x3FB4] =	sst s0;
	s0 =	simm.s32 @!p2 $0x0  }
0x16: {  	s3 =	sld [smem:$0x3FDB];
	s0 =	simm.s32 @p2 $0x1  }
0x17: {  	s4 =	simm.s32 $0x1BF5;
	[smem:$0x3FB6] =	sst s0  }
0x18: {  	s0 =	sld [smem:$0x3F99];
	_ =	swait.ge [sflag:s4], $0x0  }
0x19: {  	s7 =	sld [smem:$0x3F9A]  }
0x1a: {  	s8 =	sadd.s32 $0xFFFFE003, lr  }
0x1b: {  	s9 =	sadd.s32 $0xFFFFFEF7, lr;
	s5 =	simm.s32 $0xFFFFFFFF;
	p2 =	slt.u32 s8, $0xFFFFF086  }
0x1c: {  	p1 =	slt.u32 s9, $0xF7A;
	s5 =	simm.s32 @!p2 $0x0  }
0x1d: {  	s5 =	simm.s32 @p1 $0x1;
	p0 =	seq.s32 s7, s2  }
0x1e: {  	s7 =	smul.u32 @!p0 $0xF7A, s2;
	p2 =	seq.s32 @!p0 s5, $0x0  }
0x1f: {  	s9 =	smul.u32 $0xF7A, s1;
	s8 =	simm.s32 @!p0 $0x1BF5;
	p2 =	por !p2, p0  }
0x20: {  	[sflag:s8] =	ssyncset.s32 @!p0 $0xFFFFF086;
	s6 =	sadd.s32 @!p0 s3, s7;
	s7 =	simm.s32 @!p0 $0x108  }
0x21: {  	s3 =	sadd.s32 s3, s9;
	s6 =	sadd.s32 @!p0 $0x88, s6;
	s7 =	simm.s32 @p2 $0x1082  }
0x22: {  	[simem:s7], [sflag:s8] =	dma.local @!p0 [hbm:s6], $0xF7A  }
0x23: {  	s9 =	sor.u32 $0xD0000000, s2;
	s6 =	simm.s32 $0x108;
	_ =	swait.ge @!p0 [sflag:s8], $0x0  }
0x24: {  	s3 =	sadd.s32 $0x88, s3;
	s6 =	simm.s32 @!p1 $0x1082;
	[sflag:s4] =	ssyncset.s32 $0xFFFFF086  }
0x25: {  	[simem:s6], [sflag:s4] =	dma.local [hbm:s3], $0xF7A  }
0x26: {  	[smem:$0x3F9A] =	sst s1;
	(tag) =	ssettag s2;
	_ =	strace s9  }
0x27: {  	s1 =	sld [smem:$0x3FAA]  }
0x28: {  	s2 =	sld [smem:$0x3FAB]  }
0x29: {  	s4 =	sld [smem:$0x3FAD]  }
0x2a: {  	p0 =	seq.s32 s5, $0x0;
	s5 =	sld [smem:$0x3FAE]  }
0x2b: {  	s6 =	sld [smem:$0x3FAF]  }
0x2c: {  	s7 =	sld [smem:$0x3FB0]  }
0x2d: {  	s3 =	simm.s32 $0x108;
	s8 =	sld [smem:$0x3FB1]  }
0x2e: {  	s3 =	simm.s32 @!p0 $0x1082;
	s9 =	sld [smem:$0x3FB2]  }
0x2f: {  	lr =	sadd.s32 s0, s3;
	s0 =	sld [smem:$0x3FA9]  }
0x30: {  	s3 =	sld [smem:$0x3FAC]  }
0x31: {  	[smem:$0x3FB5] =	sst s10  }
0x32: {  	s10 =	sld [smem:$0x3FB3];
	_ =	sdelay $0x3  }
0x33: {  	p0 =	seq.s32 s10, $0x1;
	s10 =	sld [smem:$0x3FB5];
	_ =	sdelay $0x3  }
0x34: {  	[smem:$0x3FB5] =	sst s10  }
0x35: {  	s10 =	sld [smem:$0x3FB4];
	_ =	sdelay $0x3  }
0x36: {  	p1 =	seq.s32 s10, $0x1;
	s10 =	sld [smem:$0x3FB5];
	_ =	sdelay $0x3  }
0x37: {  	[smem:$0x3FB5] =	sst s10  }
0x38: {  	s10 =	sld [smem:$0x3FB6]  }
0x39: {  	_ = 	snop;
	(pc) =	sbr.ind lr, $3  }
0x3a: {  	_ = 	snop  }
0x3b: {  	_ = 	snop  }
0x3c: {  	p2 =	seq.s32 s10, $0x1;
	s10 =	sld [smem:$0x3FB5]  }
0x3d: {  	_ =	shalt  }
0x3e: {  	_ =	shalt  }
0x3f: {  	_ =	shalt  }
0x40: {  	_ =	shalt  }
0x41: {  	_ =	shalt  }
0x42: {  	_ =	shalt  }
0x43: {  	_ =	shalt  }
0x44: {  	_ =	shalt  }
0x45: {  	_ =	shalt  }
0x46: {  	_ =	shalt  }
0x47: {  	_ =	shalt  }
0x48: {  	_ =	shalt  }
0x49: {  	_ =	shalt  }
0x4a: {  	_ =	shalt  }
0x4b: {  	_ =	shalt  }
0x4c: {  	_ =	shalt  }
0x4d: {  	_ =	shalt  }
0x4e: {  	_ =	shalt  }
0x4f: {  	_ =	shalt  }
0x50: {  	_ =	shalt  }
0x51: {  	_ =	shalt  }
0x52: {  	_ =	shalt  }
0x53: {  	_ =	shalt  }
0x54: {  	_ =	shalt  }
0x55: {  	_ =	shalt  }
0x56: {  	_ =	shalt  }
0x57: {  	_ =	shalt  }
0x58: {  	_ =	shalt  }
0x59: {  	_ =	shalt  }
0x5a: {  	_ =	shalt  }
0x5b: {  	_ =	shalt  }
0x5c: {  	_ =	shalt  }
0x5d: {  	_ =	shalt  }
0x5e: {  	_ =	shalt  }
0x5f: {  	_ =	shalt  }
0x60: {  	_ =	shalt  }
0x61: {  	_ =	shalt  }
0x62: {  	_ =	shalt  }
0x63: {  	_ =	shalt  }
0x64: {  	_ =	shalt  }
0x65: {  	_ =	shalt  }
0x66: {  	_ =	shalt  }
0x67: {  	_ =	shalt  }
0x68: {  	_ =	shalt  }
0x69: {  	_ =	shalt  }
0x6a: {  	_ =	shalt  }
0x6b: {  	_ =	shalt  }
0x6c: {  	_ =	shalt  }
0x6d: {  	_ =	shalt  }
0x6e: {  	_ =	shalt  }
0x6f: {  	_ =	shalt  }
0x70: {  	_ =	shalt  }
0x71: {  	_ =	shalt  }
0x72: {  	_ =	shalt  }
0x73: {  	_ =	shalt  }
0x74: {  	_ =	shalt  }
0x75: {  	_ =	shalt  }
0x76: {  	_ =	shalt  }
0x77: {  	_ =	shalt  }
0x78: {  	_ =	shalt  }
0x79: {  	_ =	shalt  }
0x7a: {  	_ =	shalt  }
0x7b: {  	_ =	shalt  }
0x7c: {  	_ =	shalt  }
0x7d: {  	_ =	shalt  }
0x7e: {  	_ =	shalt  }
0x7f: {  	_ =	shalt  }
0x80: {  	_ =	shalt  }
0x81: {  	_ =	shalt  }
0x82: {  	_ =	shalt  }
0x83: {  	_ =	shalt  }
0x84: {  	_ =	shalt  }
0x85: {  	_ =	shalt  }
0x86: {  	_ =	shalt  }
0x87: {  	_ =	shalt  }
.Lfunc_end0:
.L_simem_size_0:
called_computation_lowered:
.L_overlay_start_0:
0x88: {  	s2 =	sld [smem:$0x3FD9]  }
0x89: {  	s3 =	sld [smem:$0x3FFE];
	_ =	sdelay $0x1  }
0x8a: {  	s1 =	srdreg.scid  }
0x8b: {  	s0 =	sand.u32 $0x1, s1  }
0x8c: {  	s17 =	sshll.u32 s0, $0xA;
	s2 =	sadd.s32 s3, s2  }
0x8d: {  	s2 =	sadd.s32 s2, s17  }
0x8e: {  	[smem:$0x3FC1] =	sst s2  }
0x8f: {  	_ = 	snop  }
0x90: {  	s2 =	sld [smem:$0x3FC9]  }
0x91: {  	s18 =	sld [smem:$0x3FD0];
	(tm) =	ssettm $0x1  }
0x92: {  	s4 =	sld [smem:$0x3FFB];
	_ =	sdelay $0x3  }
0x93: {  	_ =	strace s4  }
0x94: {  	s4 =	sld [smem:$0x3FFC];
	_ =	sdelay $0x3  }
0x95: {  	_ =	strace s4  }
0x96: {  	s4 =	sld [smem:$0x3FFD];
	_ =	sdelay $0x3  }
0x97: {  	_ =	strace s4  }
0x98: {  	_ =	strace $0x8FFFFFFF  }
0x99: {  	s19 =	sld [smem:$0x3FDB];
	_ =	sdelay $0x1  }
0x9a: {  	s5 =	simm.s32 $_scs_section_size  }
0x9b: {  	s6 =	simm.s32 $_size__tile_overlayer_lowered;
	s7 =	simm.s32 $_tile_overlayer_lowered  }
0x9c: {  	s22 =	simm.s32 $0x1BFF;
	s21 =	sshll.u32 s7, $0x1;
	s4 =	sadd.s32 s5, s19  }
0x9d: {  	s8 =	simm.s32 $0x0;
	s20 =	sshll.u32 s6, $0x1;
	s6 =	sadd.s32 s21, s4  }
0x9e: {  	[timem:s8], [sflag:s22] =	dma.local [hbm:s6], s20  }
0x9f: {  	_ =	swait.ge [sflag:s22], s20  }
0xa0: {  	s5 =	ssub.s32 $0x0, s20;
	[sflag:s22] =	ssyncset.done $0x0  }
0xa1: {  	[sflag:s22] =	ssyncadd.s32 s5;
	_ =	sdelay $0x1  }
0xa2: {  	s23 =	simm.s32 $0x1B8B  }
0xa3: {  	_ =	swait.ge [sflag:s23], $0x1  }
0xa4: {  	[sflag:s23] =	ssyncset.done $0x0  }
0xa5: {  	s25 =	simm.s32 $0x1B8E;
	s24 =	sld [smem:$0x3FFE];
	[sflag:s23] =	ssyncadd.s32 $0xFFFFFFFF  }
0xa6: {  	s26 =	simm.s32 $execute0_lowered;
	[smem:$0x3FD2] =	sst s25  }
0xa7: {  	s6 =	sshll.u32 s26, $0x1;
	_ =	strace $0x80000046;
	[dreg:$0x1] =	wrdreg $0xFFFFFFFF  }
0xa8: {  	s28 =	simm.s32 $_size_execute0_lowered;
	s4 =	sadd.s32 s4, s6;
	[dreg:$0x0] =	wrdreg $0x0  }
0xa9: {  	s6 =	sshll.u32 s28, $0x1;
	[dreg:$0x2] =	wrdreg s4  }
0xaa: {  	[dreg:$0x3] =	wrdreg s6  }
0xab: {  	[dreg:$0x4] =	wrdreg $0xC0  }
0xac: {  	_ =	task [dreg:s8], $0x5FFFF  }
0xad: {  	[dreg:$0x1] =	wrdreg $0xFFFFFFFF  }
0xae: {  	[dreg:$0x0] =	wrdreg $0x60  }
0xaf: {  	[dreg:$0x2] =	wrdreg s2  }
0xb0: {  	[dreg:$0x3] =	wrdreg s24  }
0xb1: {  	[dreg:$0x4] =	wrdreg s18  }
0xb2: {  	[dreg:$0x5] =	wrdreg $0x9  }
0xb3: {  	_ =	task.clear_ibuf [dreg:s8], $0x6FFFF;
	_ =	strace $0x90000046  }
0xb4: {  	s29 =	simm.s32 $0x9;
	_ =	strace $0x80000048  }
0xb5: {  	_ =	swait.ge [sflag:s29], $0x1  }
0xb6: {  	[sflag:s29] =	ssyncadd.s32 $0xFFFFFFFF  }
0xb7: {  	_ =	strace $0x90000048  }
0xb8: {  	_ =	sfence  }
0xb9: {  	s30 =	sld [smem:$0x0];
	_ =	sdelay $0x2  }
0xba: {  	s31 =	sshll.u32 s1, $0xD;
	s1 =	sshrl.u32 s1, $0x2  }
0xbb: {  	s3 =	sand.u32 $0x4000, s31;
	s1 =	sadd.s32 s1, s30  }
0xbc: {  	s0 =	sor.u32 s3, s0;
	s1 =	sshll.u32 s1, $0x11  }
0xbd: {  	s0 =	sor.u32 s1, s0  }
0xbe: {  	s0 =	sadd.s32 $0x8F2B, s0  }
0xbf: {  	[sflag:s0] =	ssyncadd.remote.s32 $0x1  }
0xc0: {  	_ =	sfence.sel $0xFFFF  }
0xc1: {  	[dreg:$0x0] =	wrdreg $0xFFFFFFFF;
	(pc) =	sbr.abs _section_cstart, $3  }
0xc2: {  	[dreg:$0x1] =	wrdreg $0xFFFFFFFF  }
0xc3: {  	_ =	task.clear_ibuf [dreg:s8], $0x2FFFF;
	_ =	strace $0x9FFFFFFF  }
0xc4: {  	(tm) =	ssettm $0x7FFFFFFF  }
0xc5: {  	_ =	shalt  }
tec
execute0_lowered:
.L_overlay_start_1:
0x0: {  	(tag) =	ssettag $0x1  }
0x1: {  	s0 =	rddreg [dreg:$0x0]  }
0x2: {  	s1 =	rddreg [dreg:$0x1]  }
0x3: {  	s2 =	srdreg.scid;
	s3 =	rddreg [dreg:$0x2]  }
0x4: {  	s5 =	stileid.u32;
	s23 =	simm.s32 $0xC000;
	s24 =	simm.s32 $0xC080  }
0x5: {  	s25 =	simm.s32 $0xC100;
	s8 =	simm.s32 $0xC180;
	s9 =	simm.s32 $0x10180  }
0x6: {  	s14 =	simm.s32 $0x2800;
	s15 =	simm.s32 $0x3000;
	s16 =	simm.s32 $0x3800  }
0x7: {  	s17 =	simm.s32 $0x4000;
	s26 =	simm.s32 $0x80;
	s28 =	simm.s32 $0x9000  }
0x8: {  	s4 =	sand.u32 $0x1, s2;
	[dreg:$0x4] =	wrdreg s3;
	s2 =	simm.s32 $0x0  }
0x9: {  	s29 =	simm.s32 $0x9800;
	s30 =	simm.s32 $0xA000;
	[smem:$0x7FF] =	sst s2  }
0xa: {  	s31 =	simm.s32 $0xA800;
	_ =	strace $0x80000047;
	[dreg:$0x9] =	wrdreg s23  }
0xb: {  	s18 =	sshll.u32 s4, $0x4;
	s4 =	ssub.s32 $0x2, s4;
	[dreg:$0xa] =	wrdreg s24  }
0xc: {  	s5 =	sor.u32 s5, s18;
	s21 =	sshrl.u32 s4, $0x1;
	[dreg:$0xb] =	wrdreg s25  }
0xd: {  	s18 =	simm.s32 $0x4800;
	s23 =	simm.s32 $0x7000;
	s24 =	simm.s32 $0x7800  }
0xe: {  	[dreg:$0xc] =	wrdreg s26;
	s25 =	simm.s32 $0x8000;
	s26 =	simm.s32 $0x8800  }
0xf: {  	v18 =	vlaneseq.u32;
	s6 =	smul.u32 $0x1800, s5;
	s3 =	sshll.u32 s5, $0x3;
	s5 =	sshll.u32 s5, $0x4  }
0x10: {  	vm0 =	vmmov $0xffff;
	v0 =	vmul.u32 $0x80, v18;
	v4 =	vmul.u32 $0x2, v18;
	s7 =	sadd.s32 s3, s1;
	s3 =	sadd.s32 $0x800, s1;
	s22 =	sadd.s32 s1, s5  }
0x11: {  	v17 =	vshrl.u32 v18, $0x3;
	v16 =	vand.u32 $0x7, v18;
	v18 =	vor.u32 $0x8, v18;
	s5 =	sadd.s32 $0xA00, s1;
	s0 =	sadd.s32 s0, s6;
	s19 =	sadd.s32 $0x600, s7  }
0x12: {  	v17 =	vmul.u32 $0x8, v17;
	v1 =	vor.u32 $0x800, v0;
	v2 =	vor.u32 $0x1000, v0;
	s20 =	sadd.s32 $0x400, s7;
	s6 =	ssub.s32 s4, s21;
	[dreg:$0x8] =	wrdreg s22  }
0x13: {  	v3 =	vor.u32 $0x1800, v0;
	v5 =	vor.u32 $0x2000, v0;
	v6 =	vor.u32 $0x2800, v0;
	s4 =	sadd.s32 $0x900, s1;
	s7 =	simm.s32 $0x1;
	[dreg:$0x5] =	wrdreg s0  }
0x14: {  	v7 =	vor.u32 $0x3000, v0;
	v8 =	vor.u32 $0x3800, v0;
	v9 =	vor.u32 $0x1, v4;
	s21 =	simm.s32 $0x6000;
	s22 =	simm.s32 $0x6800;
	[dreg:$0x6] =	wrdreg s19  }
0x15: {  	v10 =	vor.u32 $0x20, v4;
	v11 =	vor.u32 $0x21, v4;
	v12 =	vor.u32 $0x40, v4;
	s1 =	simm.s32 $0xB800;
	[dreg:$0x7] =	wrdreg s20;
	s6 =	smax.u32 s6, $0x1  }
0x16: {  	v13 =	vor.u32 $0x41, v4;
	v14 =	vor.u32 $0x60, v4;
	v15 =	vor.u32 $0x61, v4;
	s19 =	simm.s32 $0x5000;
	s20 =	simm.s32 $0x5800;
	s0 =	simm.s32 $0xB000  }
.LBB2_1:
0x17: {  	s10 =	rddreg [dreg:$0x5]  }
0x18: {  	s11 =	rddreg [dreg:$0x6]  }
0x19: {  	s12 =	rddreg [dreg:$0x9]  }
0x1a: {  	s13 =	rddreg [dreg:$0xb]  }
0x1b: {  	[tilespmem:s2], [sflag:$0x1] =	stream.linear.gather [hbm4b:s10+s2], $0xC000, $0x38;
	[tilespmem:$0x10200] =	vst v63  }
0x1c: {  	s10 =	rddreg [dreg:$0x7]  }
0x1d: {  	[tilespmem:s12], [sflag:$0x1] =	stream.linear.gather [hbm4b:s11+s2], $0x40, $0x38;
	[tilespmem:$0x10200] =	vst v63  }
0x1e: {  	s11 =	rddreg [dreg:$0xa]  }
0x1f: {  	[tilespmem:s11], [sflag:$0x1] =	stream.linear.gather [hbm4b:s10+s2], $0x40, $0x38;
	[tilespmem:$0x10200] =	vst v63  }
0x20: {  	s12 =	rddreg [dreg:$0x8]  }
0x21: {  	[tilespmem:s13], [sflag:$0x1] =	stream.linear.gather [hbm4b:s12+s2], $0x80, $0x38;
	[tilespmem:$0x10200] =	vst v63  }
0x22: {  	_ =	swait.ge [sflag:s7], $0xC000  }
0x23: {  	[sflag:s7] =	ssyncset.done $0x0  }
0x24: {  	[sflag:s7] =	ssyncadd.s32 $0xFFFF4000  }
0x25: {  	_ =	swait.ge [sflag:s7], $0x40  }
0x26: {  	[sflag:s7] =	ssyncset.done $0x0  }
0x27: {  	[sflag:s7] =	ssyncadd.s32 $0xFFFFFFC0  }
0x28: {  	_ =	swait.ge [sflag:s7], $0x40  }
0x29: {  	[sflag:s7] =	ssyncset.done $0x0  }
0x2a: {  	[sflag:s7] =	ssyncadd.s32 $0xFFFFFFC0  }
0x2b: {  	_ =	swait.ge [sflag:s7], $0x80  }
0x2c: {  	[sflag:s7] =	ssyncset.done $0x0  }
0x2d: {  	[sflag:s7] =	ssyncadd.s32 $0xFFFFFF80  }
0x2e: {  	v19 =	vld [tilespmem:$0xC100];
	_ =	sdelay $0x4  }
0x2f: {  	[tilespmem:v0+s8+$0x0] =	vst.idx.msk $0xffff, v19  }
0x30: {  	v19 =	vld [tilespmem:$0xC110];
	_ =	sdelay $0x4  }
0x31: {  	[tilespmem:v1+s8+$0x0] =	vst.idx.msk $0xffff, v19  }
0x32: {  	v19 =	vld [tilespmem:$0xC120];
	_ =	sdelay $0x4  }
0x33: {  	[tilespmem:v2+s8+$0x0] =	vst.idx.msk $0xffff, v19  }
0x34: {  	v19 =	vld [tilespmem:$0xC130];
	_ =	sdelay $0x4  }
0x35: {  	[tilespmem:v3+s8+$0x0] =	vst.idx.msk $0xffff, v19  }
0x36: {  	v19 =	vld [tilespmem:$0xC140];
	_ =	sdelay $0x4  }
0x37: {  	[tilespmem:v5+s8+$0x0] =	vst.idx.msk $0xffff, v19  }
0x38: {  	v19 =	vld [tilespmem:$0xC150];
	_ =	sdelay $0x4  }
0x39: {  	[tilespmem:v6+s8+$0x0] =	vst.idx.msk $0xffff, v19  }
0x3a: {  	v19 =	vld [tilespmem:$0xC160];
	_ =	sdelay $0x4  }
0x3b: {  	[tilespmem:v7+s8+$0x0] =	vst.idx.msk $0xffff, v19  }
0x3c: {  	v19 =	vld [tilespmem:$0xC170];
	_ =	sdelay $0x4  }
0x3d: {  	[tilespmem:v8+s8+$0x0] =	vst.idx.msk $0xffff, v19  }
0x3e: {  	v19 =	vld [tilespmem:$0xC000];
	_ =	sdelay $0x4  }
0x3f: {  	[tilespmem:v4+s9+$0x0] =	vst.idx.msk $0xffff, v19  }
0x40: {  	v19 =	vld [tilespmem:$0xC080];
	_ =	sdelay $0x4  }
0x41: {  	[tilespmem:v9+s9+$0x0] =	vst.idx.msk $0xffff, v19  }
0x42: {  	v19 =	vld [tilespmem:$0xC010];
	_ =	sdelay $0x4  }
0x43: {  	[tilespmem:v10+s9+$0x0] =	vst.idx.msk $0xffff, v19  }
0x44: {  	v19 =	vld [tilespmem:$0xC090];
	_ =	sdelay $0x4  }
0x45: {  	[tilespmem:v11+s9+$0x0] =	vst.idx.msk $0xffff, v19  }
0x46: {  	v19 =	vld [tilespmem:$0xC020];
	_ =	sdelay $0x4  }
0x47: {  	[tilespmem:v12+s9+$0x0] =	vst.idx.msk $0xffff, v19  }
0x48: {  	v19 =	vld [tilespmem:$0xC0A0];
	_ =	sdelay $0x4  }
0x49: {  	[tilespmem:v13+s9+$0x0] =	vst.idx.msk $0xffff, v19  }
0x4a: {  	v19 =	vld [tilespmem:$0xC030];
	_ =	sdelay $0x4  }
0x4b: {  	[tilespmem:v14+s9+$0x0] =	vst.idx.msk $0xffff, v19  }
0x4c: {  	v19 =	vld [tilespmem:$0xC0B0];
	_ =	sdelay $0x4  }
0x4d: {  	[tilespmem:v15+s9+$0x0] =	vst.idx.msk $0xffff, v19  }
0x4e: {  	v19 =	vld [tilespmem:$0xC000];
	_ =	sdelay $0x4  }
0x4f: {  	v20 =	vshrl.u32 v19, $0x3  }
0x50: {  	v20 =	vmul.u32 $0x30, v20  }
0x51: {  	v19 =	vand.u32 $0x7, v19  }
0x52: {  	v19 =	vor.u32 v19, v20  }
0x53: {  	v20 =	vperm.xlane v19, v16;
	_ =	sdelay $0x1  }
0x54: {  	v20 =	vadd.s32 v17, v20;
	_ =	sdelay $0x3  }
0x55: {  	v19 =	vperm.xlane v19, v18  }
0x56: {  	[hbm4b:s3+s2] =	stream.indirect_vreg.scatter [tilespmem:s2], [sflag:$0x1], $0x80, v20, vm0, $0xb8;
	[tilespmem:$0x10200] =	vst v63  }
0x57: {  	s10 =	simm.s32 $0x800;
	v19 =	vadd.s32 v17, v19  }
0x58: {  	[hbm4b:s4+s2] =	stream.indirect_vreg.scatter [tilespmem:s10], [sflag:$0x1], $0x80, v20, vm0, $0xb8;
	[tilespmem:$0x10200] =	vst v63  }
0x59: {  	s11 =	simm.s32 $0x1000  }
0x5a: {  	[hbm4b:s5+s2] =	stream.indirect_vreg.scatter [tilespmem:s11], [sflag:$0x1], $0x80, v20, vm0, $0xb8;
	[tilespmem:$0x10200] =	vst v63  }
0x5b: {  	s12 =	simm.s32 $0x1800  }
0x5c: {  	[hbm4b:s3+s2] =	stream.indirect_vreg.scatter [tilespmem:s12], [sflag:$0x1], $0x80, v19, vm0, $0xb8;
	[tilespmem:$0x10200] =	vst v63  }
0x5d: {  	s13 =	simm.s32 $0x2000  }
0x5e: {  	[hbm4b:s4+s2] =	stream.indirect_vreg.scatter [tilespmem:s13], [sflag:$0x1], $0x80, v19, vm0, $0xb8;
	[tilespmem:$0x10200] =	vst v63  }
0x5f: {  	_ = 	snop  }
0x60: {  	[hbm4b:s5+s2] =	stream.indirect_vreg.scatter [tilespmem:s14], [sflag:$0x1], $0x80, v19, vm0, $0xb8;
	[tilespmem:$0x10200] =	vst v63  }
0x61: {  	v19 =	vld [tilespmem:$0xC010];
	_ =	sdelay $0x4  }
0x62: {  	v20 =	vshrl.u32 v19, $0x3  }
0x63: {  	v20 =	vmul.u32 $0x30, v20  }
0x64: {  	v19 =	vand.u32 $0x7, v19  }
0x65: {  	v19 =	vor.u32 v19, v20  }
0x66: {  	v20 =	vperm.xlane v19, v16;
	_ =	sdelay $0x1  }
0x67: {  	v20 =	vadd.s32 v17, v20;
	_ =	sdelay $0x3  }
0x68: {  	v19 =	vperm.xlane v19, v18  }
0x69: {  	[hbm4b:s3+s2] =	stream.indirect_vreg.scatter [tilespmem:s15], [sflag:$0x1], $0x80, v20, vm0, $0xb8;
	[tilespmem:$0x10200] =	vst v63  }
0x6a: {  	v19 =	vadd.s32 v17, v19  }
0x6b: {  	[hbm4b:s4+s2] =	stream.indirect_vreg.scatter [tilespmem:s16], [sflag:$0x1], $0x80, v20, vm0, $0xb8;
	[tilespmem:$0x10200] =	vst v63  }
0x6c: {  	_ = 	snop  }
0x6d: {  	[hbm4b:s5+s2] =	stream.indirect_vreg.scatter [tilespmem:s17], [sflag:$0x1], $0x80, v20, vm0, $0xb8;
	[tilespmem:$0x10200] =	vst v63  }
0x6e: {  	_ = 	snop  }
0x6f: {  	[hbm4b:s3+s2] =	stream.indirect_vreg.scatter [tilespmem:s18], [sflag:$0x1], $0x80, v19, vm0, $0xb8;
	[tilespmem:$0x10200] =	vst v63  }
0x70: {  	_ = 	snop  }
0x71: {  	[hbm4b:s4+s2] =	stream.indirect_vreg.scatter [tilespmem:s19], [sflag:$0x1], $0x80, v19, vm0, $0xb8;
	[tilespmem:$0x10200] =	vst v63  }
0x72: {  	_ = 	snop  }
0x73: {  	[hbm4b:s5+s2] =	stream.indirect_vreg.scatter [tilespmem:s20], [sflag:$0x1], $0x80, v19, vm0, $0xb8;
	[tilespmem:$0x10200] =	vst v63  }
0x74: {  	v19 =	vld [tilespmem:$0xC020];
	_ =	sdelay $0x4  }
0x75: {  	v20 =	vshrl.u32 v19, $0x3  }
0x76: {  	v20 =	vmul.u32 $0x30, v20  }
0x77: {  	v19 =	vand.u32 $0x7, v19  }
0x78: {  	v19 =	vor.u32 v19, v20  }
0x79: {  	v20 =	vperm.xlane v19, v16;
	_ =	sdelay $0x1  }
0x7a: {  	v20 =	vadd.s32 v17, v20;
	_ =	sdelay $0x3  }
0x7b: {  	v19 =	vperm.xlane v19, v18  }
0x7c: {  	[hbm4b:s3+s2] =	stream.indirect_vreg.scatter [tilespmem:s21], [sflag:$0x1], $0x80, v20, vm0, $0xb8;
	[tilespmem:$0x10200] =	vst v63  }
0x7d: {  	v19 =	vadd.s32 v17, v19  }
0x7e: {  	[hbm4b:s4+s2] =	stream.indirect_vreg.scatter [tilespmem:s22], [sflag:$0x1], $0x80, v20, vm0, $0xb8;
	[tilespmem:$0x10200] =	vst v63  }
0x7f: {  	_ = 	snop  }
0x80: {  	[hbm4b:s5+s2] =	stream.indirect_vreg.scatter [tilespmem:s23], [sflag:$0x1], $0x80, v20, vm0, $0xb8;
	[tilespmem:$0x10200] =	vst v63  }
0x81: {  	_ = 	snop  }
0x82: {  	[hbm4b:s3+s2] =	stream.indirect_vreg.scatter [tilespmem:s24], [sflag:$0x1], $0x80, v19, vm0, $0xb8;
	[tilespmem:$0x10200] =	vst v63  }
0x83: {  	_ = 	snop  }
0x84: {  	[hbm4b:s4+s2] =	stream.indirect_vreg.scatter [tilespmem:s25], [sflag:$0x1], $0x80, v19, vm0, $0xb8;
	[tilespmem:$0x10200] =	vst v63  }
0x85: {  	_ = 	snop  }
0x86: {  	[hbm4b:s5+s2] =	stream.indirect_vreg.scatter [tilespmem:s26], [sflag:$0x1], $0x80, v19, vm0, $0xb8;
	[tilespmem:$0x10200] =	vst v63  }
0x87: {  	v19 =	vld [tilespmem:$0xC030];
	_ =	sdelay $0x4  }
0x88: {  	v20 =	vshrl.u32 v19, $0x3  }
0x89: {  	v20 =	vmul.u32 $0x30, v20  }
0x8a: {  	v19 =	vand.u32 $0x7, v19  }
0x8b: {  	v19 =	vor.u32 v19, v20  }
0x8c: {  	v20 =	vperm.xlane v19, v16;
	_ =	sdelay $0x1  }
0x8d: {  	v20 =	vadd.s32 v17, v20;
	_ =	sdelay $0x3  }
0x8e: {  	v19 =	vperm.xlane v19, v18  }
0x8f: {  	[hbm4b:s3+s2] =	stream.indirect_vreg.scatter [tilespmem:s28], [sflag:$0x1], $0x80, v20, vm0, $0xb8;
	[tilespmem:$0x10200] =	vst v63  }
0x90: {  	v19 =	vadd.s32 v17, v19  }
0x91: {  	[hbm4b:s4+s2] =	stream.indirect_vreg.scatter [tilespmem:s29], [sflag:$0x1], $0x80, v20, vm0, $0xb8;
	[tilespmem:$0x10200] =	vst v63  }
0x92: {  	_ = 	snop  }
0x93: {  	[hbm4b:s5+s2] =	stream.indirect_vreg.scatter [tilespmem:s30], [sflag:$0x1], $0x80, v20, vm0, $0xb8;
	[tilespmem:$0x10200] =	vst v63  }
0x94: {  	_ = 	snop  }
0x95: {  	[hbm4b:s3+s2] =	stream.indirect_vreg.scatter [tilespmem:s31], [sflag:$0x1], $0x80, v19, vm0, $0xb8;
	[tilespmem:$0x10200] =	vst v63  }
0x96: {  	_ = 	snop  }
0x97: {  	[hbm4b:s4+s2] =	stream.indirect_vreg.scatter [tilespmem:s0], [sflag:$0x1], $0x80, v19, vm0, $0xb8;
	[tilespmem:$0x10200] =	vst v63  }
0x98: {  	_ = 	snop  }
0x99: {  	[hbm4b:s5+s2] =	stream.indirect_vreg.scatter [tilespmem:s1], [sflag:$0x1], $0x80, v19, vm0, $0xb8;
	[tilespmem:$0x10200] =	vst v63  }
0x9a: {  	v19 =	vld [tilespmem:$0xC080];
	_ =	sdelay $0x4  }
0x9b: {  	v20 =	vshrl.u32 v19, $0x3  }
0x9c: {  	v20 =	vmul.u32 $0x30, v20  }
0x9d: {  	v19 =	vand.u32 $0x7, v19  }
0x9e: {  	v19 =	vor.u32 v19, v20  }
0x9f: {  	v20 =	vperm.xlane v19, v16;
	_ =	sdelay $0x1  }
0xa0: {  	v20 =	vadd.s32 v17, v20;
	_ =	sdelay $0x3  }
0xa1: {  	v19 =	vperm.xlane v19, v18  }
0xa2: {  	[hbm4b:s3+s2] =	stream.indirect_vreg.scatter [tilespmem:s2], [sflag:$0x1], $0x80, v20, vm0, $0xb8;
	[tilespmem:$0x10200] =	vst v63  }
0xa3: {  	v19 =	vadd.s32 v17, v19  }
0xa4: {  	[hbm4b:s4+s2] =	stream.indirect_vreg.scatter [tilespmem:s10], [sflag:$0x1], $0x80, v20, vm0, $0xb8;
	[tilespmem:$0x10200] =	vst v63  }
0xa5: {  	_ = 	snop  }
0xa6: {  	[hbm4b:s5+s2] =	stream.indirect_vreg.scatter [tilespmem:s11], [sflag:$0x1], $0x80, v20, vm0, $0xb8;
	[tilespmem:$0x10200] =	vst v63  }
0xa7: {  	_ = 	snop  }
0xa8: {  	[hbm4b:s3+s2] =	stream.indirect_vreg.scatter [tilespmem:s12], [sflag:$0x1], $0x80, v19, vm0, $0xb8;
	[tilespmem:$0x10200] =	vst v63  }
0xa9: {  	_ = 	snop  }
0xaa: {  	[hbm4b:s4+s2] =	stream.indirect_vreg.scatter [tilespmem:s13], [sflag:$0x1], $0x80, v19, vm0, $0xb8;
	[tilespmem:$0x10200] =	vst v63  }
0xab: {  	_ = 	snop  }
0xac: {  	[hbm4b:s5+s2] =	stream.indirect_vreg.scatter [tilespmem:s14], [sflag:$0x1], $0x80, v19, vm0, $0xb8;
	[tilespmem:$0x10200] =	vst v63  }
0xad: {  	v19 =	vld [tilespmem:$0xC090];
	_ =	sdelay $0x4  }
0xae: {  	v20 =	vshrl.u32 v19, $0x3  }
0xaf: {  	v20 =	vmul.u32 $0x30, v20  }
0xb0: {  	v19 =	vand.u32 $0x7, v19  }
0xb1: {  	v19 =	vor.u32 v19, v20  }
0xb2: {  	v20 =	vperm.xlane v19, v16;
	_ =	sdelay $0x1  }
0xb3: {  	v20 =	vadd.s32 v17, v20;
	_ =	sdelay $0x3  }
0xb4: {  	v19 =	vperm.xlane v19, v18  }
0xb5: {  	[hbm4b:s3+s2] =	stream.indirect_vreg.scatter [tilespmem:s15], [sflag:$0x1], $0x80, v20, vm0, $0xb8;
	[tilespmem:$0x10200] =	vst v63  }
0xb6: {  	v19 =	vadd.s32 v17, v19  }
0xb7: {  	[hbm4b:s4+s2] =	stream.indirect_vreg.scatter [tilespmem:s16], [sflag:$0x1], $0x80, v20, vm0, $0xb8;
	[tilespmem:$0x10200] =	vst v63  }
0xb8: {  	_ = 	snop  }
0xb9: {  	[hbm4b:s5+s2] =	stream.indirect_vreg.scatter [tilespmem:s17], [sflag:$0x1], $0x80, v20, vm0, $0xb8;
	[tilespmem:$0x10200] =	vst v63  }
0xba: {  	_ = 	snop  }
0xbb: {  	[hbm4b:s3+s2] =	stream.indirect_vreg.scatter [tilespmem:s18], [sflag:$0x1], $0x80, v19, vm0, $0xb8;
	[tilespmem:$0x10200] =	vst v63  }
0xbc: {  	_ = 	snop  }
0xbd: {  	[hbm4b:s4+s2] =	stream.indirect_vreg.scatter [tilespmem:s19], [sflag:$0x1], $0x80, v19, vm0, $0xb8;
	[tilespmem:$0x10200] =	vst v63  }
0xbe: {  	_ = 	snop  }
0xbf: {  	[hbm4b:s5+s2] =	stream.indirect_vreg.scatter [tilespmem:s20], [sflag:$0x1], $0x80, v19, vm0, $0xb8;
	[tilespmem:$0x10200] =	vst v63  }
0xc0: {  	v19 =	vld [tilespmem:$0xC0A0];
	_ =	sdelay $0x4  }
0xc1: {  	v20 =	vshrl.u32 v19, $0x3  }
0xc2: {  	v20 =	vmul.u32 $0x30, v20  }
0xc3: {  	v19 =	vand.u32 $0x7, v19  }
0xc4: {  	v19 =	vor.u32 v19, v20  }
0xc5: {  	v20 =	vperm.xlane v19, v16;
	_ =	sdelay $0x1  }
0xc6: {  	v20 =	vadd.s32 v17, v20;
	_ =	sdelay $0x3  }
0xc7: {  	v19 =	vperm.xlane v19, v18  }
0xc8: {  	[hbm4b:s3+s2] =	stream.indirect_vreg.scatter [tilespmem:s21], [sflag:$0x1], $0x80, v20, vm0, $0xb8;
	[tilespmem:$0x10200] =	vst v63  }
0xc9: {  	v19 =	vadd.s32 v17, v19  }
0xca: {  	[hbm4b:s4+s2] =	stream.indirect_vreg.scatter [tilespmem:s22], [sflag:$0x1], $0x80, v20, vm0, $0xb8;
	[tilespmem:$0x10200] =	vst v63  }
0xcb: {  	_ = 	snop  }
0xcc: {  	[hbm4b:s5+s2] =	stream.indirect_vreg.scatter [tilespmem:s23], [sflag:$0x1], $0x80, v20, vm0, $0xb8;
	[tilespmem:$0x10200] =	vst v63  }
0xcd: {  	_ = 	snop  }
0xce: {  	[hbm4b:s3+s2] =	stream.indirect_vreg.scatter [tilespmem:s24], [sflag:$0x1], $0x80, v19, vm0, $0xb8;
	[tilespmem:$0x10200] =	vst v63  }
0xcf: {  	_ = 	snop  }
0xd0: {  	[hbm4b:s4+s2] =	stream.indirect_vreg.scatter [tilespmem:s25], [sflag:$0x1], $0x80, v19, vm0, $0xb8;
	[tilespmem:$0x10200] =	vst v63  }
0xd1: {  	_ = 	snop  }
0xd2: {  	[hbm4b:s5+s2] =	stream.indirect_vreg.scatter [tilespmem:s26], [sflag:$0x1], $0x80, v19, vm0, $0xb8;
	[tilespmem:$0x10200] =	vst v63  }
0xd3: {  	v19 =	vld [tilespmem:$0xC0B0];
	_ =	sdelay $0x4  }
0xd4: {  	v20 =	vshrl.u32 v19, $0x3  }
0xd5: {  	v20 =	vmul.u32 $0x30, v20  }
0xd6: {  	v19 =	vand.u32 $0x7, v19  }
0xd7: {  	v19 =	vor.u32 v19, v20  }
0xd8: {  	v20 =	vperm.xlane v19, v16;
	_ =	sdelay $0x1  }
0xd9: {  	v20 =	vadd.s32 v17, v20;
	_ =	sdelay $0x3  }
0xda: {  	v19 =	vperm.xlane v19, v18  }
0xdb: {  	[hbm4b:s3+s2] =	stream.indirect_vreg.scatter [tilespmem:s28], [sflag:$0x1], $0x80, v20, vm0, $0xb8;
	[tilespmem:$0x10200] =	vst v63  }
0xdc: {  	v19 =	vadd.s32 v17, v19  }
0xdd: {  	[hbm4b:s4+s2] =	stream.indirect_vreg.scatter [tilespmem:s29], [sflag:$0x1], $0x80, v20, vm0, $0xb8;
	[tilespmem:$0x10200] =	vst v63  }
0xde: {  	_ = 	snop  }
0xdf: {  	[hbm4b:s5+s2] =	stream.indirect_vreg.scatter [tilespmem:s30], [sflag:$0x1], $0x80, v20, vm0, $0xb8;
	[tilespmem:$0x10200] =	vst v63  }
0xe0: {  	_ = 	snop  }
0xe1: {  	[hbm4b:s3+s2] =	stream.indirect_vreg.scatter [tilespmem:s31], [sflag:$0x1], $0x80, v19, vm0, $0xb8;
	[tilespmem:$0x10200] =	vst v63  }
0xe2: {  	_ = 	snop  }
0xe3: {  	[hbm4b:s4+s2] =	stream.indirect_vreg.scatter [tilespmem:s0], [sflag:$0x1], $0x80, v19, vm0, $0xb8;
	[tilespmem:$0x10200] =	vst v63  }
0xe4: {  	s12 =	rddreg [dreg:$0x4]  }
0xe5: {  	[hbm4b:s5+s2] =	stream.indirect_vreg.scatter [tilespmem:s1], [sflag:$0x1], $0x80, v19, vm0, $0xb8;
	[tilespmem:$0x10200] =	vst v63  }
0xe6: {  	s13 =	rddreg [dreg:$0xc]  }
0xe7: {  	[hbm4b:s12+s13] =	stream.indirect.scatter [tilespmem:s8], [sflag:$0x1], $0x80, s9, s13, $0xb8;
	[tilespmem:$0x10200] =	vst v63  }
0xe8: {  	_ =	swait.ge [sflag:s7], $0xC000  }
0xe9: {  	[sflag:s7] =	ssyncset.done $0x0  }
0xea: {  	[sflag:s7] =	ssyncadd.s32 $0xFFFF4000  }
0xeb: {  	p0 =	sne.s32 s6, $0x1;
	_ =	swait.ge [sflag:s7], $0xC000  }
.Ltmp0:
0xec: {  	[sflag:s7] =	ssyncset.done $0x0;
	(pc) =	sbr.rel @p0 .LBB2_1-.Ltmp0, $4  }
0xed: {  	[sflag:s7] =	ssyncadd.s32 $0xFFFF4000  }
0xee: {  	_ =	swait.ge [sflag:s7], $0x4000  }
0xef: {  	[sflag:s7] =	ssyncset.done $0x0  }
0xf0: {  	s6 =	sadd.s32 $0xFFFFFFFF, s6;
	[sflag:s7] =	ssyncadd.s32 $0xFFFFC000  }
0xf1: {  	_ =	sfence.sel $0x180000  }
0xf2: {  	[bflag:$0x0] =	sbarrier.arrive $0xFFFF  }
0xf3: {  	_ =	strace $0x90000047  }
0xf4: {  	s0 =	stileid.u32;
	[bflag:$0x2] =	sbarrier.arrive $0xFFFF  }
0xf5: {  	p0 =	sne.s32 s0, $0x0;
	s0 =	rddreg [dreg:$0x3]  }
0xf6: {  	s0 =	sadd.s32 @!p0 $0x100000, s0  }
0xf7: {  	[sflag:s0] =	ssyncadd.tile.s32 @!p0 $0x1;
	_ =	shalt  }
.Lfunc_end2:
_tile_overlayer_lowered:
.L_overlay_start_2:
0xf8: {  	(tag) =	ssettag $0x2  }
0xf9: {  	s0 =	rddreg [dreg:$0x0];
	s2 =	stileid.u32  }
0xfa: {  	s1 =	rddreg [dreg:$0x1];
	p0 =	sne.s32 s2, $0x0  }
0xfb: {  	s3 =	rddreg [dreg:$0x2];
	[bflag:$0x3] =	sbarrier.arrive $0xFFFF;
	s2 =	simm.s32 @!p0 $0x1C02  }
0xfc: {  	[timem:s3], [sflag:s2] =	dma.local @!p0 [hbm:s0], s1  }
0xfd: {  	s0 =	simm.s32 @!p0 $0x2  }
0xfe: {  	_ =	swait.ge @!p0 [sflag:s0], s1  }
0xff: {  	s1 =	ssub.s32 @!p0 $0x0, s1;
	[sflag:s0] =	ssyncset.done @!p0 $0x0  }
0x100: {  	[sflag:s0] =	ssyncadd.s32 @!p0 s1  }
0x101: {  	[bflag:$0x3] =	sbarrier.arrive $0xFFFF  }
0x102: {  	_ =	shalt  }

// kernel: kernel.8.cloned.1.call-start
scs
__scs_entry_jumppad:
0x0: {  	(pc) =	sbr.rel $0x88, $3  }
0x1: {  	(tag) =	ssettag $0x0;
	lr =	simm.s32 $0x1  }
0x2: {  	[smem:$0x3F9A] =	sst lr;
	_ =	strace $0xD0000000  }
0x3: {  	_ = 	snop  }
0x4: {  	_ = 	snop  }
0x5: {  	_ = 	snop  }
0x6: {  	_ = 	snop  }
0x7: {  	_ = 	snop  }
__scs_overlays_trampoline_lowered:
0x8: {  	[smem:$0x3FA9] =	sst s0  }
0x9: {  	[smem:$0x3FAA] =	sst s1  }
0xa: {  	[smem:$0x3FAB] =	sst s2  }
0xb: {  	[smem:$0x3FAC] =	sst s3  }
0xc: {  	[smem:$0x3FAD] =	sst s4  }
0xd: {  	[smem:$0x3FAE] =	sst s5  }
0xe: {  	[smem:$0x3FAF] =	sst s6  }
0xf: {  	[smem:$0x3FB0] =	sst s7  }
0x10: {  	[smem:$0x3FB1] =	sst s8  }
0x11: {  	[smem:$0x3FB2] =	sst s9;
	s0 =	simm.s32 @!p0 $0x0  }
0x12: {  	s1 =	sld [smem:$0x3F98];
	s0 =	simm.s32 @p0 $0x1  }
0x13: {  	[smem:$0x3FB3] =	sst s0;
	s0 =	simm.s32 @!p1 $0x0  }
0x14: {  	s2 =	sld [smem:$0x3F97];
	s0 =	simm.s32 @p1 $0x1  }
0x15: {  	[smem:$0x3FB4] =	sst s0;
	s0 =	simm.s32 @!p2 $0x0  }
0x16: {  	s3 =	sld [smem:$0x3FDB];
	s0 =	simm.s32 @p2 $0x1  }
0x17: {  	s4 =	simm.s32 $0x1BF5;
	[smem:$0x3FB6] =	sst s0  }
0x18: {  	s0 =	sld [smem:$0x3F99];
	_ =	swait.ge [sflag:s4], $0x0  }
0x19: {  	s7 =	sld [smem:$0x3F9A]  }
0x1a: {  	s8 =	sadd.s32 $0xFFFFE003, lr  }
0x1b: {  	s9 =	sadd.s32 $0xFFFFFEF7, lr;
	s5 =	simm.s32 $0xFFFFFFFF;
	p2 =	slt.u32 s8, $0xFFFFF086  }
0x1c: {  	p1 =	slt.u32 s9, $0xF7A;
	s5 =	simm.s32 @!p2 $0x0  }
0x1d: {  	s5 =	simm.s32 @p1 $0x1;
	p0 =	seq.s32 s7, s2  }
0x1e: {  	s7 =	smul.u32 @!p0 $0xF7A, s2;
	p2 =	seq.s32 @!p0 s5, $0x0  }
0x1f: {  	s9 =	smul.u32 $0xF7A, s1;
	s8 =	simm.s32 @!p0 $0x1BF5;
	p2 =	por !p2, p0  }
0x20: {  	[sflag:s8] =	ssyncset.s32 @!p0 $0xFFFFF086;
	s6 =	sadd.s32 @!p0 s3, s7;
	s7 =	simm.s32 @!p0 $0x108  }
0x21: {  	s3 =	sadd.s32 s3, s9;
	s6 =	sadd.s32 @!p0 $0x88, s6;
	s7 =	simm.s32 @p2 $0x1082  }
0x22: {  	[simem:s7], [sflag:s8] =	dma.local @!p0 [hbm:s6], $0xF7A  }
0x23: {  	s9 =	sor.u32 $0xD0000000, s2;
	s6 =	simm.s32 $0x108;
	_ =	swait.ge @!p0 [sflag:s8], $0x0  }
0x24: {  	s3 =	sadd.s32 $0x88, s3;
	s6 =	simm.s32 @!p1 $0x1082;
	[sflag:s4] =	ssyncset.s32 $0xFFFFF086  }
0x25: {  	[simem:s6], [sflag:s4] =	dma.local [hbm:s3], $0xF7A  }
0x26: {  	[smem:$0x3F9A] =	sst s1;
	(tag) =	ssettag s2;
	_ =	strace s9  }
0x27: {  	s1 =	sld [smem:$0x3FAA]  }
0x28: {  	s2 =	sld [smem:$0x3FAB]  }
0x29: {  	s4 =	sld [smem:$0x3FAD]  }
0x2a: {  	p0 =	seq.s32 s5, $0x0;
	s5 =	sld [smem:$0x3FAE]  }
0x2b: {  	s6 =	sld [smem:$0x3FAF]  }
0x2c: {  	s7 =	sld [smem:$0x3FB0]  }
0x2d: {  	s3 =	simm.s32 $0x108;
	s8 =	sld [smem:$0x3FB1]  }
0x2e: {  	s3 =	simm.s32 @!p0 $0x1082;
	s9 =	sld [smem:$0x3FB2]  }
0x2f: {  	lr =	sadd.s32 s0, s3;
	s0 =	sld [smem:$0x3FA9]  }
0x30: {  	s3 =	sld [smem:$0x3FAC]  }
0x31: {  	[smem:$0x3FB5] =	sst s10  }
0x32: {  	s10 =	sld [smem:$0x3FB3];
	_ =	sdelay $0x3  }
0x33: {  	p0 =	seq.s32 s10, $0x1;
	s10 =	sld [smem:$0x3FB5];
	_ =	sdelay $0x3  }
0x34: {  	[smem:$0x3FB5] =	sst s10  }
0x35: {  	s10 =	sld [smem:$0x3FB4];
	_ =	sdelay $0x3  }
0x36: {  	p1 =	seq.s32 s10, $0x1;
	s10 =	sld [smem:$0x3FB5];
	_ =	sdelay $0x3  }
0x37: {  	[smem:$0x3FB5] =	sst s10  }
0x38: {  	s10 =	sld [smem:$0x3FB6]  }
0x39: {  	_ = 	snop;
	(pc) =	sbr.ind lr, $3  }
0x3a: {  	_ = 	snop  }
0x3b: {  	_ = 	snop  }
0x3c: {  	p2 =	seq.s32 s10, $0x1;
	s10 =	sld [smem:$0x3FB5]  }
0x3d: {  	_ =	shalt  }
0x3e: {  	_ =	shalt  }
0x3f: {  	_ =	shalt  }
0x40: {  	_ =	shalt  }
0x41: {  	_ =	shalt  }
0x42: {  	_ =	shalt  }
0x43: {  	_ =	shalt  }
0x44: {  	_ =	shalt  }
0x45: {  	_ =	shalt  }
0x46: {  	_ =	shalt  }
0x47: {  	_ =	shalt  }
0x48: {  	_ =	shalt  }
0x49: {  	_ =	shalt  }
0x4a: {  	_ =	shalt  }
0x4b: {  	_ =	shalt  }
0x4c: {  	_ =	shalt  }
0x4d: {  	_ =	shalt  }
0x4e: {  	_ =	shalt  }
0x4f: {  	_ =	shalt  }
0x50: {  	_ =	shalt  }
0x51: {  	_ =	shalt  }
0x52: {  	_ =	shalt  }
0x53: {  	_ =	shalt  }
0x54: {  	_ =	shalt  }
0x55: {  	_ =	shalt  }
0x56: {  	_ =	shalt  }
0x57: {  	_ =	shalt  }
0x58: {  	_ =	shalt  }
0x59: {  	_ =	shalt  }
0x5a: {  	_ =	shalt  }
0x5b: {  	_ =	shalt  }
0x5c: {  	_ =	shalt  }
0x5d: {  	_ =	shalt  }
0x5e: {  	_ =	shalt  }
0x5f: {  	_ =	shalt  }
0x60: {  	_ =	shalt  }
0x61: {  	_ =	shalt  }
0x62: {  	_ =	shalt  }
0x63: {  	_ =	shalt  }
0x64: {  	_ =	shalt  }
0x65: {  	_ =	shalt  }
0x66: {  	_ =	shalt  }
0x67: {  	_ =	shalt  }
0x68: {  	_ =	shalt  }
0x69: {  	_ =	shalt  }
0x6a: {  	_ =	shalt  }
0x6b: {  	_ =	shalt  }
0x6c: {  	_ =	shalt  }
0x6d: {  	_ =	shalt  }
0x6e: {  	_ =	shalt  }
0x6f: {  	_ =	shalt  }
0x70: {  	_ =	shalt  }
0x71: {  	_ =	shalt  }
0x72: {  	_ =	shalt  }
0x73: {  	_ =	shalt  }
0x74: {  	_ =	shalt  }
0x75: {  	_ =	shalt  }
0x76: {  	_ =	shalt  }
0x77: {  	_ =	shalt  }
0x78: {  	_ =	shalt  }
0x79: {  	_ =	shalt  }
0x7a: {  	_ =	shalt  }
0x7b: {  	_ =	shalt  }
0x7c: {  	_ =	shalt  }
0x7d: {  	_ =	shalt  }
0x7e: {  	_ =	shalt  }
0x7f: {  	_ =	shalt  }
0x80: {  	_ =	shalt  }
0x81: {  	_ =	shalt  }
0x82: {  	_ =	shalt  }
0x83: {  	_ =	shalt  }
0x84: {  	_ =	shalt  }
0x85: {  	_ =	shalt  }
0x86: {  	_ =	shalt  }
0x87: {  	_ =	shalt  }
.Lfunc_end0:
.L_simem_size_0:
called_computation.1_lowered:
.L_overlay_start_0:
0x88: {  	s2 =	sld [smem:$0x3FD9]  }
0x89: {  	s3 =	sld [smem:$0x3FFE];
	_ =	sdelay $0x1  }
0x8a: {  	s1 =	srdreg.scid  }
0x8b: {  	s0 =	sand.u32 $0x1, s1  }
0x8c: {  	s17 =	sshll.u32 s0, $0xA;
	s2 =	sadd.s32 s3, s2  }
0x8d: {  	s2 =	sadd.s32 s2, s17  }
0x8e: {  	[smem:$0x3FC1] =	sst s2  }
0x8f: {  	_ = 	snop  }
0x90: {  	s2 =	sld [smem:$0x3FD0];
	(tm) =	ssettm $0x1  }
0x91: {  	s18 =	sld [smem:$0x3FFB];
	_ =	sdelay $0x3  }
0x92: {  	_ =	strace s18  }
0x93: {  	s3 =	sld [smem:$0x3FFC];
	_ =	sdelay $0x3  }
0x94: {  	_ =	strace s3  }
0x95: {  	s3 =	sld [smem:$0x3FFD];
	_ =	sdelay $0x3  }
0x96: {  	_ =	strace s3  }
0x97: {  	_ =	strace $0x8FFFFFFF  }
0x98: {  	s19 =	sld [smem:$0x3FDB];
	_ =	sdelay $0x1  }
0x99: {  	s4 =	simm.s32 $_scs_section_size  }
0x9a: {  	s5 =	simm.s32 $_size__tile_overlayer_lowered;
	s6 =	simm.s32 $_tile_overlayer_lowered  }
0x9b: {  	s22 =	simm.s32 $0x1BFF;
	s21 =	sshll.u32 s6, $0x1;
	s3 =	sadd.s32 s4, s19  }
0x9c: {  	s7 =	simm.s32 $0x0;
	s20 =	sshll.u32 s5, $0x1;
	s5 =	sadd.s32 s21, s3  }
0x9d: {  	[timem:s7], [sflag:s22] =	dma.local [hbm:s5], s20  }
0x9e: {  	_ =	swait.ge [sflag:s22], s20  }
0x9f: {  	s4 =	ssub.s32 $0x0, s20;
	[sflag:s22] =	ssyncset.done $0x0  }
0xa0: {  	[sflag:s22] =	ssyncadd.s32 s4;
	_ =	sdelay $0x1  }
0xa1: {  	s23 =	simm.s32 $0x1B8B  }
0xa2: {  	_ =	swait.ge [sflag:s23], $0x1  }
0xa3: {  	[sflag:s23] =	ssyncset.done $0x0  }
0xa4: {  	s25 =	simm.s32 $0x1B8E;
	s24 =	sld [smem:$0x3FFE];
	[sflag:s23] =	ssyncadd.s32 $0xFFFFFFFF  }
0xa5: {  	s26 =	simm.s32 $execute0_lowered;
	[smem:$0x3FD2] =	sst s25  }
0xa6: {  	s5 =	sshll.u32 s26, $0x1;
	_ =	strace $0x80000049;
	[dreg:$0x1] =	wrdreg $0xFFFFFFFF  }
0xa7: {  	s28 =	simm.s32 $_size_execute0_lowered;
	s3 =	sadd.s32 s3, s5;
	[dreg:$0x0] =	wrdreg $0x0  }
0xa8: {  	s5 =	sshll.u32 s28, $0x1;
	[dreg:$0x2] =	wrdreg s3  }
0xa9: {  	[dreg:$0x3] =	wrdreg s5  }
0xaa: {  	[dreg:$0x4] =	wrdreg $0xC0  }
0xab: {  	_ =	task [dreg:s7], $0x5FFFF  }
0xac: {  	[dreg:$0x1] =	wrdreg $0xFFFFFFFF  }
0xad: {  	[dreg:$0x0] =	wrdreg $0x60  }
0xae: {  	[dreg:$0x2] =	wrdreg s24  }
0xaf: {  	[dreg:$0x3] =	wrdreg s2  }
0xb0: {  	[dreg:$0x4] =	wrdreg $0x9  }
0xb1: {  	_ =	task.clear_ibuf [dreg:s7], $0x5FFFF;
	_ =	strace $0x90000049  }
0xb2: {  	s29 =	simm.s32 $0x9;
	_ =	strace $0x8000004B  }
0xb3: {  	_ =	swait.ge [sflag:s29], $0x1  }
0xb4: {  	[sflag:s29] =	ssyncadd.s32 $0xFFFFFFFF  }
0xb5: {  	_ =	strace $0x9000004B  }
0xb6: {  	_ =	sfence  }
0xb7: {  	s30 =	sld [smem:$0x0];
	_ =	sdelay $0x2  }
0xb8: {  	s31 =	sshll.u32 s1, $0xD;
	s1 =	sshrl.u32 s1, $0x2  }
0xb9: {  	s3 =	sand.u32 $0x4000, s31;
	s1 =	sadd.s32 s1, s30  }
0xba: {  	s0 =	sor.u32 s3, s0;
	s1 =	sshll.u32 s1, $0x11  }
0xbb: {  	s0 =	sor.u32 s1, s0  }
0xbc: {  	s0 =	sadd.s32 $0x8F2B, s0  }
0xbd: {  	[sflag:s0] =	ssyncadd.remote.s32 $0x1  }
0xbe: {  	_ =	sfence.sel $0xFFFF  }
0xbf: {  	[dreg:$0x0] =	wrdreg $0xFFFFFFFF;
	(pc) =	sbr.abs _section_cstart, $3  }
0xc0: {  	[dreg:$0x1] =	wrdreg $0xFFFFFFFF  }
0xc1: {  	_ =	task.clear_ibuf [dreg:s7], $0x2FFFF;
	_ =	strace $0x9FFFFFFF  }
0xc2: {  	(tm) =	ssettm $0x7FFFFFFF  }
0xc3: {  	_ =	shalt  }
tec
execute0_lowered:
.L_overlay_start_1:
0x0: {  	(tag) =	ssettag $0x1  }
0x1: {  	s0 =	rddreg [dreg:$0x0]  }
0x2: {  	s1 =	rddreg [dreg:$0x1];
	s3 =	srdreg.scid;
	s2 =	simm.s32 $0x0  }
0x3: {  	s5 =	stileid.u32;
	s10 =	simm.s32 $0x2;
	s12 =	simm.s32 $0x100  }
0x4: {  	s11 =	simm.s32 $0x15100;
	s13 =	simm.s32 $0x15900;
	s14 =	simm.s32 $0x16100  }
0x5: {  	s15 =	simm.s32 $0x16900;
	s16 =	simm.s32 $0x17100;
	s17 =	simm.s32 $0x17900  }
0x6: {  	s18 =	simm.s32 $0x1;
	s19 =	simm.s32 $0x0;
	s3 =	sand.u32 $0x1, s3  }
0x7: {  	[smem:$0x7FF] =	sst s2;
	s5 =	sshll.u32 s5, $0x3;
	s4 =	sshll.u32 s3, $0x7  }
0x8: {  	_ =	strace $0x8000004A;
	s31 =	ssub.s32 $0x2, s3;
	s5 =	sor.u32 s5, s4  }
0x9: {  	s3 =	sadd.s32 $0x61C00, s0;
	s7 =	sshrl.u32 s31, $0x1;
	s6 =	sadd.s32 s5, s0  }
0xa: {  	v2 =	vlaneseq.u32;
	s9 =	ssub.s32 s31, s7;
	s8 =	smul.u32 $0x300, s5;
	s7 =	sadd.s32 $0x61E00, s0  }
0xb: {  	vm0 =	vmmov $0xffff;
	v1 =	vshrl.u32 v2, $0x3;
	s4 =	sadd.s32 $0x600, s6;
	s5 =	sadd.s32 $0x400, s6;
	s6 =	sadd.s32 $0x61D00, s0  }
0xc: {  	v0 =	vand.u32 $0x7, v2;
	v2 =	vor.u32 $0x8, v2;
	v1 =	vmul.u32 $0x8, v1;
	s9 =	smax.u32 s9, $0x1;
	s8 =	sadd.s32 s1, s8;
	s1 =	simm.s32 $0x14900  }
.LBB2_1:
0xd: {  	[tilespmem:s2], [sflag:$0x2] =	stream.linear.gather [hbm4b:s4+s2], $0x40, $0x38;
	[tilespmem:$0x18100] =	vst v63  }
0xe: {  	_ =	swait.ge [sflag:s10], $0x40  }
0xf: {  	[sflag:s10] =	ssyncset.done $0x0  }
0x10: {  	s0 =	simm.s32 $0x80;
	[sflag:s10] =	ssyncadd.s32 $0xFFFFFFC0  }
0x11: {  	[tilespmem:s0], [sflag:$0x2] =	stream.linear.gather [hbm4b:s5+s2], $0x40, $0x38;
	[tilespmem:$0x18100] =	vst v63  }
0x12: {  	_ =	swait.ge [sflag:s10], $0x40  }
0x13: {  	[sflag:s10] =	ssyncset.done $0x0  }
0x14: {  	[sflag:s10] =	ssyncadd.s32 $0xFFFFFFC0  }
0x15: {  	v3 =	vld [tilespmem:$0x0];
	_ =	sdelay $0x4  }
0x16: {  	v4 =	vshrl.u32 v3, $0x3  }
0x17: {  	v4 =	vmul.u32 $0x30, v4  }
0x18: {  	v3 =	vand.u32 $0x7, v3  }
0x19: {  	v3 =	vor.u32 v3, v4  }
0x1a: {  	v4 =	vperm.xlane v3, v0;
	_ =	sdelay $0x1  }
0x1b: {  	v4 =	vadd.s32 v1, v4;
	_ =	sdelay $0x3  }
0x1c: {  	v3 =	vperm.xlane v3, v2  }
0x1d: {  	[tilespmem:s12], [sflag:$0x1] =	stream.indirect_vreg.gather [hbm4b:s3+s2], $0x80, v4, vm0, $0xb8;
	[tilespmem:$0x18100] =	vst v63  }
0x1e: {  	s21 =	simm.s32 $0x900;
	v3 =	vadd.s32 v1, v3  }
0x1f: {  	[tilespmem:s21], [sflag:$0x1] =	stream.indirect_vreg.gather [hbm4b:s6+s2], $0x80, v4, vm0, $0xb8;
	[tilespmem:$0x18100] =	vst v63  }
0x20: {  	s22 =	simm.s32 $0x1100  }
0x21: {  	[tilespmem:s22], [sflag:$0x1] =	stream.indirect_vreg.gather [hbm4b:s7+s2], $0x80, v4, vm0, $0xb8;
	[tilespmem:$0x18100] =	vst v63  }
0x22: {  	s23 =	simm.s32 $0x1900  }
0x23: {  	[tilespmem:s23], [sflag:$0x1] =	stream.indirect_vreg.gather [hbm4b:s3+s2], $0x80, v3, vm0, $0xb8;
	[tilespmem:$0x18100] =	vst v63  }
0x24: {  	s24 =	simm.s32 $0x2100  }
0x25: {  	[tilespmem:s24], [sflag:$0x1] =	stream.indirect_vreg.gather [hbm4b:s6+s2], $0x80, v3, vm0, $0xb8;
	[tilespmem:$0x18100] =	vst v63  }
0x26: {  	s25 =	simm.s32 $0x2900  }
0x27: {  	[tilespmem:s25], [sflag:$0x1] =	stream.indirect_vreg.gather [hbm4b:s7+s2], $0x80, v3, vm0, $0xb8;
	[tilespmem:$0x18100] =	vst v63  }
0x28: {  	v3 =	vld [tilespmem:$0x10];
	_ =	sdelay $0x4  }
0x29: {  	v4 =	vshrl.u32 v3, $0x3  }
0x2a: {  	v4 =	vmul.u32 $0x30, v4  }
0x2b: {  	v3 =	vand.u32 $0x7, v3  }
0x2c: {  	v3 =	vor.u32 v3, v4  }
0x2d: {  	v4 =	vperm.xlane v3, v0;
	_ =	sdelay $0x1  }
0x2e: {  	v4 =	vadd.s32 v1, v4;
	_ =	sdelay $0x3  }
0x2f: {  	s26 =	simm.s32 $0x3100;
	v3 =	vperm.xlane v3, v2  }
0x30: {  	[tilespmem:s26], [sflag:$0x1] =	stream.indirect_vreg.gather [hbm4b:s3+s2], $0x80, v4, vm0, $0xb8;
	[tilespmem:$0x18100] =	vst v63  }
0x31: {  	s28 =	simm.s32 $0x3900;
	v3 =	vadd.s32 v1, v3  }
0x32: {  	[tilespmem:s28], [sflag:$0x1] =	stream.indirect_vreg.gather [hbm4b:s6+s2], $0x80, v4, vm0, $0xb8;
	[tilespmem:$0x18100] =	vst v63  }
0x33: {  	s29 =	simm.s32 $0x4100  }
0x34: {  	[tilespmem:s29], [sflag:$0x1] =	stream.indirect_vreg.gather [hbm4b:s7+s2], $0x80, v4, vm0, $0xb8;
	[tilespmem:$0x18100] =	vst v63  }
0x35: {  	s30 =	simm.s32 $0x4900  }
0x36: {  	[tilespmem:s30], [sflag:$0x1] =	stream.indirect_vreg.gather [hbm4b:s3+s2], $0x80, v3, vm0, $0xb8;
	[tilespmem:$0x18100] =	vst v63  }
0x37: {  	s31 =	simm.s32 $0x5100  }
0x38: {  	[tilespmem:s31], [sflag:$0x1] =	stream.indirect_vreg.gather [hbm4b:s6+s2], $0x80, v3, vm0, $0xb8;
	[tilespmem:$0x18100] =	vst v63  }
0x39: {  	s20 =	simm.s32 $0x5900  }
0x3a: {  	[tilespmem:s20], [sflag:$0x1] =	stream.indirect_vreg.gather [hbm4b:s7+s2], $0x80, v3, vm0, $0xb8;
	[tilespmem:$0x18100] =	vst v63  }
0x3b: {  	v3 =	vld [tilespmem:$0x20];
	_ =	sdelay $0x4  }
0x3c: {  	v4 =	vshrl.u32 v3, $0x3  }
0x3d: {  	v4 =	vmul.u32 $0x30, v4  }
0x3e: {  	v3 =	vand.u32 $0x7, v3  }
0x3f: {  	v3 =	vor.u32 v3, v4  }
0x40: {  	v4 =	vperm.xlane v3, v0;
	_ =	sdelay $0x1  }
0x41: {  	v4 =	vadd.s32 v1, v4;
	_ =	sdelay $0x3  }
0x42: {  	s21 =	simm.s32 $0x6100;
	v3 =	vperm.xlane v3, v2  }
0x43: {  	[tilespmem:s21], [sflag:$0x1] =	stream.indirect_vreg.gather [hbm4b:s3+s2], $0x80, v4, vm0, $0xb8;
	[tilespmem:$0x18100] =	vst v63  }
0x44: {  	s22 =	simm.s32 $0x6900;
	v3 =	vadd.s32 v1, v3  }
0x45: {  	[tilespmem:s22], [sflag:$0x1] =	stream.indirect_vreg.gather [hbm4b:s6+s2], $0x80, v4, vm0, $0xb8;
	[tilespmem:$0x18100] =	vst v63  }
0x46: {  	s23 =	simm.s32 $0x7100  }
0x47: {  	[tilespmem:s23], [sflag:$0x1] =	stream.indirect_vreg.gather [hbm4b:s7+s2], $0x80, v4, vm0, $0xb8;
	[tilespmem:$0x18100] =	vst v63  }
0x48: {  	s24 =	simm.s32 $0x7900  }
0x49: {  	[tilespmem:s24], [sflag:$0x1] =	stream.indirect_vreg.gather [hbm4b:s3+s2], $0x80, v3, vm0, $0xb8;
	[tilespmem:$0x18100] =	vst v63  }
0x4a: {  	s25 =	simm.s32 $0x8100  }
0x4b: {  	[tilespmem:s25], [sflag:$0x1] =	stream.indirect_vreg.gather [hbm4b:s6+s2], $0x80, v3, vm0, $0xb8;
	[tilespmem:$0x18100] =	vst v63  }
0x4c: {  	s26 =	simm.s32 $0x8900  }
0x4d: {  	[tilespmem:s26], [sflag:$0x1] =	stream.indirect_vreg.gather [hbm4b:s7+s2], $0x80, v3, vm0, $0xb8;
	[tilespmem:$0x18100] =	vst v63  }
0x4e: {  	v3 =	vld [tilespmem:$0x30];
	_ =	sdelay $0x4  }
0x4f: {  	v4 =	vshrl.u32 v3, $0x3  }
0x50: {  	v4 =	vmul.u32 $0x30, v4  }
0x51: {  	v3 =	vand.u32 $0x7, v3  }
0x52: {  	v3 =	vor.u32 v3, v4  }
0x53: {  	v4 =	vperm.xlane v3, v0;
	_ =	sdelay $0x1  }
0x54: {  	v4 =	vadd.s32 v1, v4;
	_ =	sdelay $0x3  }
0x55: {  	s28 =	simm.s32 $0x9100;
	v3 =	vperm.xlane v3, v2  }
0x56: {  	[tilespmem:s28], [sflag:$0x1] =	stream.indirect_vreg.gather [hbm4b:s3+s2], $0x80, v4, vm0, $0xb8;
	[tilespmem:$0x18100] =	vst v63  }
0x57: {  	s29 =	simm.s32 $0x9900;
	v3 =	vadd.s32 v1, v3  }
0x58: {  	[tilespmem:s29], [sflag:$0x1] =	stream.indirect_vreg.gather [hbm4b:s6+s2], $0x80, v4, vm0, $0xb8;
	[tilespmem:$0x18100] =	vst v63  }
0x59: {  	s30 =	simm.s32 $0xA100  }
0x5a: {  	[tilespmem:s30], [sflag:$0x1] =	stream.indirect_vreg.gather [hbm4b:s7+s2], $0x80, v4, vm0, $0xb8;
	[tilespmem:$0x18100] =	vst v63  }
0x5b: {  	s31 =	simm.s32 $0xA900  }
0x5c: {  	[tilespmem:s31], [sflag:$0x1] =	stream.indirect_vreg.gather [hbm4b:s3+s2], $0x80, v3, vm0, $0xb8;
	[tilespmem:$0x18100] =	vst v63  }
0x5d: {  	s20 =	simm.s32 $0xB100  }
0x5e: {  	[tilespmem:s20], [sflag:$0x1] =	stream.indirect_vreg.gather [hbm4b:s6+s2], $0x80, v3, vm0, $0xb8;
	[tilespmem:$0x18100] =	vst v63  }
0x5f: {  	s21 =	simm.s32 $0xB900  }
0x60: {  	[tilespmem:s21], [sflag:$0x1] =	stream.indirect_vreg.gather [hbm4b:s7+s2], $0x80, v3, vm0, $0xb8;
	[tilespmem:$0x18100] =	vst v63  }
0x61: {  	v3 =	vld [tilespmem:$0x80];
	_ =	sdelay $0x4  }
0x62: {  	v4 =	vshrl.u32 v3, $0x3  }
0x63: {  	v4 =	vmul.u32 $0x30, v4  }
0x64: {  	v3 =	vand.u32 $0x7, v3  }
0x65: {  	v3 =	vor.u32 v3, v4  }
0x66: {  	v4 =	vperm.xlane v3, v0;
	_ =	sdelay $0x1  }
0x67: {  	v4 =	vadd.s32 v1, v4;
	_ =	sdelay $0x3  }
0x68: {  	s22 =	simm.s32 $0xC100;
	v3 =	vperm.xlane v3, v2  }
0x69: {  	[tilespmem:s22], [sflag:$0x1] =	stream.indirect_vreg.gather [hbm4b:s3+s2], $0x80, v4, vm0, $0xb8;
	[tilespmem:$0x18100] =	vst v63  }
0x6a: {  	s23 =	simm.s32 $0xC900;
	v3 =	vadd.s32 v1, v3  }
0x6b: {  	[tilespmem:s23], [sflag:$0x1] =	stream.indirect_vreg.gather [hbm4b:s6+s2], $0x80, v4, vm0, $0xb8;
	[tilespmem:$0x18100] =	vst v63  }
0x6c: {  	s24 =	simm.s32 $0xD100  }
0x6d: {  	[tilespmem:s24], [sflag:$0x1] =	stream.indirect_vreg.gather [hbm4b:s7+s2], $0x80, v4, vm0, $0xb8;
	[tilespmem:$0x18100] =	vst v63  }
0x6e: {  	s25 =	simm.s32 $0xD900  }
0x6f: {  	[tilespmem:s25], [sflag:$0x1] =	stream.indirect_vreg.gather [hbm4b:s3+s2], $0x80, v3, vm0, $0xb8;
	[tilespmem:$0x18100] =	vst v63  }
0x70: {  	s26 =	simm.s32 $0xE100  }
0x71: {  	[tilespmem:s26], [sflag:$0x1] =	stream.indirect_vreg.gather [hbm4b:s6+s2], $0x80, v3, vm0, $0xb8;
	[tilespmem:$0x18100] =	vst v63  }
0x72: {  	s28 =	simm.s32 $0xE900  }
0x73: {  	[tilespmem:s28], [sflag:$0x1] =	stream.indirect_vreg.gather [hbm4b:s7+s2], $0x80, v3, vm0, $0xb8;
	[tilespmem:$0x18100] =	vst v63  }
0x74: {  	v3 =	vld [tilespmem:$0x90];
	_ =	sdelay $0x4  }
0x75: {  	v4 =	vshrl.u32 v3, $0x3  }
0x76: {  	v4 =	vmul.u32 $0x30, v4  }
0x77: {  	v3 =	vand.u32 $0x7, v3  }
0x78: {  	v3 =	vor.u32 v3, v4  }
0x79: {  	v4 =	vperm.xlane v3, v0;
	_ =	sdelay $0x1  }
0x7a: {  	v4 =	vadd.s32 v1, v4;
	_ =	sdelay $0x3  }
0x7b: {  	s29 =	simm.s32 $0xF100;
	v3 =	vperm.xlane v3, v2  }
0x7c: {  	[tilespmem:s29], [sflag:$0x1] =	stream.indirect_vreg.gather [hbm4b:s3+s2], $0x80, v4, vm0, $0xb8;
	[tilespmem:$0x18100] =	vst v63  }
0x7d: {  	s30 =	simm.s32 $0xF900;
	v3 =	vadd.s32 v1, v3  }
0x7e: {  	[tilespmem:s30], [sflag:$0x1] =	stream.indirect_vreg.gather [hbm4b:s6+s2], $0x80, v4, vm0, $0xb8;
	[tilespmem:$0x18100] =	vst v63  }
0x7f: {  	s31 =	simm.s32 $0x10100  }
0x80: {  	[tilespmem:s31], [sflag:$0x1] =	stream.indirect_vreg.gather [hbm4b:s7+s2], $0x80, v4, vm0, $0xb8;
	[tilespmem:$0x18100] =	vst v63  }
0x81: {  	s20 =	simm.s32 $0x10900  }
0x82: {  	[tilespmem:s20], [sflag:$0x1] =	stream.indirect_vreg.gather [hbm4b:s3+s2], $0x80, v3, vm0, $0xb8;
	[tilespmem:$0x18100] =	vst v63  }
0x83: {  	s21 =	simm.s32 $0x11100  }
0x84: {  	[tilespmem:s21], [sflag:$0x1] =	stream.indirect_vreg.gather [hbm4b:s6+s2], $0x80, v3, vm0, $0xb8;
	[tilespmem:$0x18100] =	vst v63  }
0x85: {  	s22 =	simm.s32 $0x11900  }
0x86: {  	[tilespmem:s22], [sflag:$0x1] =	stream.indirect_vreg.gather [hbm4b:s7+s2], $0x80, v3, vm0, $0xb8;
	[tilespmem:$0x18100] =	vst v63  }
0x87: {  	v3 =	vld [tilespmem:$0xA0];
	_ =	sdelay $0x4  }
0x88: {  	v4 =	vshrl.u32 v3, $0x3  }
0x89: {  	v4 =	vmul.u32 $0x30, v4  }
0x8a: {  	v3 =	vand.u32 $0x7, v3  }
0x8b: {  	v3 =	vor.u32 v3, v4  }
0x8c: {  	v4 =	vperm.xlane v3, v0;
	_ =	sdelay $0x1  }
0x8d: {  	v4 =	vadd.s32 v1, v4;
	_ =	sdelay $0x3  }
0x8e: {  	s23 =	simm.s32 $0x12100;
	v3 =	vperm.xlane v3, v2  }
0x8f: {  	[tilespmem:s23], [sflag:$0x1] =	stream.indirect_vreg.gather [hbm4b:s3+s2], $0x80, v4, vm0, $0xb8;
	[tilespmem:$0x18100] =	vst v63  }
0x90: {  	s24 =	simm.s32 $0x12900;
	v3 =	vadd.s32 v1, v3  }
0x91: {  	[tilespmem:s24], [sflag:$0x1] =	stream.indirect_vreg.gather [hbm4b:s6+s2], $0x80, v4, vm0, $0xb8;
	[tilespmem:$0x18100] =	vst v63  }
0x92: {  	s25 =	simm.s32 $0x13100  }
0x93: {  	[tilespmem:s25], [sflag:$0x1] =	stream.indirect_vreg.gather [hbm4b:s7+s2], $0x80, v4, vm0, $0xb8;
	[tilespmem:$0x18100] =	vst v63  }
0x94: {  	s26 =	simm.s32 $0x13900  }
0x95: {  	[tilespmem:s26], [sflag:$0x1] =	stream.indirect_vreg.gather [hbm4b:s3+s2], $0x80, v3, vm0, $0xb8;
	[tilespmem:$0x18100] =	vst v63  }
0x96: {  	s28 =	simm.s32 $0x14100  }
0x97: {  	[tilespmem:s28], [sflag:$0x1] =	stream.indirect_vreg.gather [hbm4b:s6+s2], $0x80, v3, vm0, $0xb8;
	[tilespmem:$0x18100] =	vst v63  }
0x98: {  	_ = 	snop  }
0x99: {  	[tilespmem:s1], [sflag:$0x1] =	stream.indirect_vreg.gather [hbm4b:s7+s2], $0x80, v3, vm0, $0xb8;
	[tilespmem:$0x18100] =	vst v63  }
0x9a: {  	v3 =	vld [tilespmem:$0xB0];
	_ =	sdelay $0x4  }
0x9b: {  	v4 =	vshrl.u32 v3, $0x3  }
0x9c: {  	v4 =	vmul.u32 $0x30, v4  }
0x9d: {  	v3 =	vand.u32 $0x7, v3  }
0x9e: {  	v3 =	vor.u32 v3, v4  }
0x9f: {  	v4 =	vperm.xlane v3, v0;
	_ =	sdelay $0x1  }
0xa0: {  	v4 =	vadd.s32 v1, v4;
	_ =	sdelay $0x3  }
0xa1: {  	v3 =	vperm.xlane v3, v2  }
0xa2: {  	[tilespmem:s11], [sflag:$0x1] =	stream.indirect_vreg.gather [hbm4b:s3+s2], $0x80, v4, vm0, $0xb8;
	[tilespmem:$0x18100] =	vst v63  }
0xa3: {  	v3 =	vadd.s32 v1, v3  }
0xa4: {  	[tilespmem:s13], [sflag:$0x1] =	stream.indirect_vreg.gather [hbm4b:s6+s2], $0x80, v4, vm0, $0xb8;
	[tilespmem:$0x18100] =	vst v63  }
0xa5: {  	_ = 	snop  }
0xa6: {  	[tilespmem:s14], [sflag:$0x1] =	stream.indirect_vreg.gather [hbm4b:s7+s2], $0x80, v4, vm0, $0xb8;
	[tilespmem:$0x18100] =	vst v63  }
0xa7: {  	_ = 	snop  }
0xa8: {  	[tilespmem:s15], [sflag:$0x1] =	stream.indirect_vreg.gather [hbm4b:s3+s2], $0x80, v3, vm0, $0xb8;
	[tilespmem:$0x18100] =	vst v63  }
0xa9: {  	_ = 	snop  }
0xaa: {  	[tilespmem:s16], [sflag:$0x1] =	stream.indirect_vreg.gather [hbm4b:s6+s2], $0x80, v3, vm0, $0xb8;
	[tilespmem:$0x18100] =	vst v63  }
0xab: {  	_ = 	snop  }
0xac: {  	[tilespmem:s17], [sflag:$0x1] =	stream.indirect_vreg.gather [hbm4b:s7+s2], $0x80, v3, vm0, $0xb8;
	[tilespmem:$0x18100] =	vst v63  }
0xad: {  	_ =	swait.ge [sflag:s18], $0xC000  }
0xae: {  	[sflag:s18] =	ssyncset.done $0x0  }
0xaf: {  	s29 =	simm.s32 $0x0;
	[sflag:s18] =	ssyncadd.s32 $0xFFFF4000  }
0xb0: {  	s20 =	sand.u32 $0x300, s2;
	s22 =	smul.u32 $0x1800, s29;
	_ =	swait.ge [sflag:s18], $0xC000  }
0xb1: {  	s21 =	sor.u32 $0x80, s20;
	[sflag:s18] =	ssyncset.done $0x0  }
0xb2: {  	s0 =	sor.u32 s22, s21;
	[sflag:s18] =	ssyncadd.s32 $0xFFFF4000  }
0xb3: {  	v3 =	vld [tilespmem:s0+$0x100]  }
0xb4: {  	v4 =	vld [tilespmem:s0+$0xC100]  }
0xb5: {  	v5 =	vld [tilespmem:s0+$0x110]  }
0xb6: {  	v6 =	vld [tilespmem:s0+$0xC110]  }
0xb7: {  	v7 =	vld [tilespmem:s0+$0x120]  }
0xb8: {  	v8 =	vld [tilespmem:s0+$0xC120]  }
0xb9: {  	v9 =	vld [tilespmem:s0+$0x130]  }
0xba: {  	v10 =	vld [tilespmem:s0+$0xC130]  }
0xbb: {  	v11 =	vld [tilespmem:s0+$0x140]  }
0xbc: {  	v12 =	vld [tilespmem:s0+$0xC140]  }
0xbd: {  	v13 =	vld [tilespmem:s0+$0x150]  }
0xbe: {  	v14 =	vld [tilespmem:s0+$0xC150]  }
0xbf: {  	v15 =	vld [tilespmem:s0+$0x160]  }
0xc0: {  	v16 =	vld [tilespmem:s0+$0xC160]  }
0xc1: {  	v17 =	vld [tilespmem:s0+$0x170]  }
0xc2: {  	v18 =	vld [tilespmem:s0+$0xC170]  }
0xc3: {  	v19 =	vld [tilespmem:s0+$0x500]  }
0xc4: {  	v20 =	vld [tilespmem:s0+$0xC500]  }
0xc5: {  	v21 =	vld [tilespmem:s0+$0x510]  }
0xc6: {  	v22 =	vld [tilespmem:s0+$0xC510]  }
0xc7: {  	v23 =	vld [tilespmem:s0+$0x520]  }
0xc8: {  	v36 =	vld [tilespmem:s0+$0xC560];
	v3 =	vadd.f32 v4, v3  }
0xc9: {  	v37 =	vld [tilespmem:s0+$0x570];
	v5 =	vadd.f32 v6, v5  }
0xca: {  	v38 =	vld [tilespmem:s0+$0xC570];
	[tilespmem:s0+$0x100] =	vst v3;
	v3 =	vadd.f32 v8, v7  }
0xcb: {  	v4 =	vld [tilespmem:s0+$0xC520];
	[tilespmem:s0+$0x110] =	vst v5;
	v5 =	vadd.f32 v10, v9  }
0xcc: {  	v6 =	vld [tilespmem:s0+$0x530];
	[tilespmem:s0+$0x120] =	vst v3;
	v3 =	vadd.f32 v12, v11  }
0xcd: {  	v7 =	vld [tilespmem:s0+$0xC530];
	[tilespmem:s0+$0x130] =	vst v5;
	v5 =	vadd.f32 v14, v13  }
0xce: {  	v9 =	vld [tilespmem:s0+$0x550];
	[tilespmem:s0+$0x140] =	vst v3;
	v3 =	vadd.f32 v16, v15  }
0xcf: {  	v10 =	vld [tilespmem:s0+$0xC550];
	[tilespmem:s0+$0x150] =	vst v5;
	v5 =	vadd.f32 v18, v17  }
0xd0: {  	v11 =	vld [tilespmem:s0+$0x560];
	[tilespmem:s0+$0x160] =	vst v3;
	v3 =	vadd.f32 v20, v19  }
0xd1: {  	v8 =	vld [tilespmem:s0+$0x540];
	[tilespmem:s0+$0x170] =	vst v5;
	v5 =	vadd.f32 v22, v21  }
0xd2: {  	[tilespmem:s0+$0x500] =	vst v3;
	v3 =	vadd.f32 v4, v23;
	v4 =	vld [tilespmem:s0+$0xC540]  }
0xd3: {  	[tilespmem:s0+$0x510] =	vst v5;
	v5 =	vadd.f32 v7, v6  }
0xd4: {  	s26 =	sor.u32 s20, s22;
	[tilespmem:s0+$0x520] =	vst v3;
	v3 =	vadd.f32 v10, v9  }
0xd5: {  	v55 =	vld [tilespmem:s26+$0xC130];
	[tilespmem:s0+$0x530] =	vst v5;
	v5 =	vadd.f32 v36, v11  }
0xd6: {  	v56 =	vld [tilespmem:s26+$0x140];
	[tilespmem:s0+$0x550] =	vst v3;
	v3 =	vadd.f32 v38, v37  }
0xd7: {  	v57 =	vld [tilespmem:s26+$0xC140];
	[tilespmem:s0+$0x560] =	vst v5;
	v4 =	vadd.f32 v4, v8  }
0xd8: {  	s23 =	sadd.s32 $0x800, s22;
	v58 =	vld [tilespmem:s26+$0x150];
	[tilespmem:s0+$0x570] =	vst v3  }
0xd9: {  	s25 =	sor.u32 s21, s23;
	v12 =	vld [tilespmem:s26+$0xC110];
	[tilespmem:s0+$0x540] =	vst v4  }
0xda: {  	v3 =	vld [tilespmem:s25+$0x100]  }
0xdb: {  	v4 =	vld [tilespmem:s25+$0xC100]  }
0xdc: {  	v5 =	vld [tilespmem:s25+$0x110]  }
0xdd: {  	v6 =	vld [tilespmem:s25+$0xC110]  }
0xde: {  	v7 =	vld [tilespmem:s25+$0x120]  }
0xdf: {  	v8 =	vld [tilespmem:s25+$0xC120]  }
0xe0: {  	v9 =	vld [tilespmem:s25+$0x130]  }
0xe1: {  	v10 =	vld [tilespmem:s25+$0xC130]  }
0xe2: {  	v11 =	vld [tilespmem:s25+$0x140]  }
0xe3: {  	v39 =	vld [tilespmem:s25+$0x150]  }
0xe4: {  	v40 =	vld [tilespmem:s25+$0xC150]  }
0xe5: {  	v41 =	vld [tilespmem:s25+$0x160]  }
0xe6: {  	v42 =	vld [tilespmem:s25+$0xC160]  }
0xe7: {  	v3 =	vadd.f32 v4, v3;
	v4 =	vld [tilespmem:s25+$0x170]  }
0xe8: {  	v5 =	vadd.f32 v6, v5;
	v6 =	vld [tilespmem:s25+$0xC170]  }
0xe9: {  	[tilespmem:s25+$0x100] =	vst v3;
	v3 =	vadd.f32 v8, v7;
	v7 =	vld [tilespmem:s25+$0xC140]  }
0xea: {  	v8 =	vld [tilespmem:s26+$0x100]  }
0xeb: {  	[tilespmem:s25+$0x110] =	vst v5;
	v5 =	vadd.f32 v10, v9;
	v9 =	vld [tilespmem:s26+$0xC100]  }
0xec: {  	v10 =	vld [tilespmem:s26+$0x110];
	[tilespmem:s25+$0x120] =	vst v3;
	v3 =	vadd.f32 v40, v39  }
0xed: {  	[tilespmem:s25+$0x130] =	vst v5;
	v5 =	vadd.f32 v42, v41;
	v39 =	vld [tilespmem:s26+$0x170]  }
0xee: {  	v41 =	vld [tilespmem:s26+$0xC170];
	[tilespmem:s25+$0x150] =	vst v3;
	v3 =	vadd.f32 v6, v4  }
0xef: {  	v4 =	vld [tilespmem:s26+$0x120];
	[tilespmem:s25+$0x160] =	vst v5;
	v6 =	vadd.f32 v7, v11  }
0xf0: {  	s24 =	sadd.s32 $0xC00, s22;
	v5 =	vld [tilespmem:s26+$0xC120];
	[tilespmem:s25+$0x170] =	vst v3  }
0xf1: {  	s30 =	sor.u32 s21, s24;
	v8 =	vadd.f32 v9, v8;
	v9 =	vld [tilespmem:s26+$0xC510];
	[tilespmem:s25+$0x140] =	vst v6  }
0xf2: {  	v6 =	vld [tilespmem:s30+$0x100]  }
0xf3: {  	v7 =	vld [tilespmem:s30+$0xC100]  }
0xf4: {  	v11 =	vld [tilespmem:s30+$0x110]  }
0xf5: {  	v43 =	vld [tilespmem:s30+$0xC110]  }
0xf6: {  	v44 =	vld [tilespmem:s30+$0x120]  }
0xf7: {  	v45 =	vld [tilespmem:s30+$0xC120]  }
0xf8: {  	v46 =	vld [tilespmem:s30+$0x130]  }
0xf9: {  	v47 =	vld [tilespmem:s30+$0xC130]  }
0xfa: {  	v48 =	vld [tilespmem:s30+$0x140]  }
0xfb: {  	v49 =	vld [tilespmem:s30+$0x150]  }
0xfc: {  	v54 =	vld [tilespmem:s30+$0xC140]  }
0xfd: {  	v50 =	vld [tilespmem:s30+$0xC150]  }
0xfe: {  	v51 =	vld [tilespmem:s30+$0x160]  }
0xff: {  	v52 =	vld [tilespmem:s30+$0xC160];
	v6 =	vadd.f32 v7, v6  }
0x100: {  	[tilespmem:s26+$0x100] =	vst v8;
	v53 =	vld [tilespmem:s30+$0xC170];
	v11 =	vadd.f32 v43, v11  }
0x101: {  	v7 =	vld [tilespmem:s30+$0x170];
	v59 =	vadd.f32 v54, v48;
	[tilespmem:s30+$0x100] =	vst v6  }
0x102: {  	v3 =	vld [tilespmem:s26+$0x130];
	v6 =	vadd.f32 v45, v44;
	[tilespmem:s30+$0x110] =	vst v11  }
0x103: {  	v8 =	vld [tilespmem:s26+$0x530];
	v11 =	vadd.f32 v47, v46;
	[tilespmem:s30+$0x140] =	vst v59  }
0x104: {  	v4 =	vadd.f32 v5, v4;
	v5 =	vld [tilespmem:s26+$0xC520];
	[tilespmem:s30+$0x120] =	vst v6;
	v6 =	vadd.f32 v50, v49  }
0x105: {  	v43 =	vld [tilespmem:s26+$0x500];
	[tilespmem:s30+$0x130] =	vst v11;
	v11 =	vadd.f32 v52, v51  }
0x106: {  	[tilespmem:s30+$0x150] =	vst v6;
	v6 =	vadd.f32 v53, v7;
	v7 =	vld [tilespmem:s26+$0xC150]  }
0x107: {  	s31 =	sadd.s32 $0x1000, s22;
	[tilespmem:s30+$0x160] =	vst v11;
	v11 =	vld [tilespmem:s26+$0x160]  }
0x108: {  	s28 =	sor.u32 s21, s31;
	[tilespmem:s30+$0x170] =	vst v6;
	v6 =	vld [tilespmem:s26+$0xC160]  }
0x109: {  	v13 =	vld [tilespmem:s28+$0x100]  }
0x10a: {  	v60 =	vld [tilespmem:s28+$0xC100]  }
0x10b: {  	v61 =	vld [tilespmem:s28+$0x110]  }
0x10c: {  	v62 =	vld [tilespmem:s28+$0xC110]  }
0x10d: {  	v63 =	vld [tilespmem:s28+$0x120]  }
0x10e: {  	v32 =	vld [tilespmem:s28+$0xC120]  }
0x10f: {  	v10 =	vadd.f32 v12, v10;
	v33 =	vld [tilespmem:s28+$0x130]  }
0x110: {  	v24 =	vld [tilespmem:s28+$0x140]  }
0x111: {  	[tilespmem:s26+$0x110] =	vst v10;
	v3 =	vadd.f32 v55, v3;
	v25 =	vld [tilespmem:s28+$0xC140]  }
0x112: {  	[tilespmem:s26+$0x120] =	vst v4;
	v4 =	vadd.f32 v57, v56;
	v26 =	vld [tilespmem:s28+$0x150]  }
0x113: {  	[tilespmem:s26+$0x130] =	vst v3;
	v27 =	vld [tilespmem:s28+$0xC150];
	v3 =	vadd.f32 v7, v58  }
0x114: {  	[tilespmem:s26+$0x140] =	vst v4;
	v28 =	vld [tilespmem:s28+$0x160];
	v4 =	vadd.f32 v6, v11  }
0x115: {  	v29 =	vld [tilespmem:s28+$0xC160];
	[tilespmem:s26+$0x150] =	vst v3;
	v3 =	vadd.f32 v41, v39  }
0x116: {  	v34 =	vld [tilespmem:s28+$0x170];
	v13 =	vadd.f32 v60, v13;
	[tilespmem:s26+$0x160] =	vst v4  }
0x117: {  	v35 =	vld [tilespmem:s28+$0xC170];
	v18 =	vadd.f32 v62, v61;
	[tilespmem:s26+$0x170] =	vst v3  }
0x118: {  	v37 =	vld [tilespmem:s28+$0xC130];
	v36 =	vadd.f32 v32, v63;
	[tilespmem:s28+$0x100] =	vst v13  }
0x119: {  	v45 =	vld [tilespmem:s26+$0xC500];
	v38 =	vadd.f32 v25, v24;
	[tilespmem:s28+$0x110] =	vst v18  }
0x11a: {  	v47 =	vld [tilespmem:s26+$0x510];
	v40 =	vadd.f32 v27, v26;
	[tilespmem:s28+$0x120] =	vst v36  }
0x11b: {  	v48 =	vld [tilespmem:s26+$0x520];
	v42 =	vadd.f32 v29, v28;
	[tilespmem:s28+$0x140] =	vst v38  }
0x11c: {  	v10 =	vld [tilespmem:s26+$0xC530];
	v44 =	vadd.f32 v35, v34;
	[tilespmem:s28+$0x150] =	vst v40  }
0x11d: {  	v6 =	vld [tilespmem:s26+$0x540];
	v46 =	vadd.f32 v37, v33;
	[tilespmem:s28+$0x160] =	vst v42  }
0x11e: {  	v11 =	vld [tilespmem:s26+$0xC540];
	v4 =	vadd.f32 v45, v43;
	[tilespmem:s28+$0x170] =	vst v44  }
0x11f: {  	v3 =	vadd.f32 v9, v47;
	v9 =	vld [tilespmem:s26+$0x550];
	[tilespmem:s28+$0x130] =	vst v46  }
0x120: {  	[tilespmem:s26+$0x500] =	vst v4;
	v4 =	vadd.f32 v5, v48;
	v5 =	vld [tilespmem:s26+$0xC550]  }
0x121: {  	s28 =	sadd.s32 $0x1400, s22;
	[tilespmem:s26+$0x510] =	vst v3;
	v3 =	vadd.f32 v10, v8;
	v8 =	vld [tilespmem:s26+$0x560]  }
0x122: {  	s22 =	sor.u32 s21, s28;
	v10 =	vld [tilespmem:s26+$0xC570]  }
0x123: {  	v7 =	vld [tilespmem:s22+$0x170]  }
0x124: {  	[tilespmem:s26+$0x520] =	vst v4;
	v4 =	vld [tilespmem:s26+$0xC560]  }
0x125: {  	v13 =	vld [tilespmem:s22+$0xC170]  }
0x126: {  	v6 =	vadd.f32 v11, v6;
	[tilespmem:s26+$0x530] =	vst v3;
	v3 =	vld [tilespmem:s26+$0x570]  }
0x127: {  	v51 =	vld [tilespmem:s22+$0xC100]  }
0x128: {  	s29 =	sor.u32 s20, s23;
	v56 =	vld [tilespmem:s22+$0xC120];
	[tilespmem:s26+$0x540] =	vst v6;
	v5 =	vadd.f32 v5, v9  }
0x129: {  	v6 =	vld [tilespmem:s29+$0x100];
	v4 =	vadd.f32 v4, v8  }
0x12a: {  	v9 =	vld [tilespmem:s29+$0x110];
	[tilespmem:s26+$0x550] =	vst v5  }
0x12b: {  	v5 =	vadd.f32 v13, v7;
	v3 =	vadd.f32 v10, v3;
	v7 =	vld [tilespmem:s29+$0x120];
	[tilespmem:s26+$0x560] =	vst v4  }
0x12c: {  	v4 =	vld [tilespmem:s29+$0x130]  }
0x12d: {  	[tilespmem:s26+$0x570] =	vst v3;
	v3 =	vld [tilespmem:s22+$0x100]  }
0x12e: {  	[tilespmem:s22+$0x170] =	vst v5;
	v5 =	vld [tilespmem:s29+$0xC100]  }
0x12f: {  	v8 =	vld [tilespmem:s29+$0xC110]  }
0x130: {  	v10 =	vld [tilespmem:s29+$0xC120]  }
0x131: {  	v11 =	vld [tilespmem:s29+$0xC130]  }
0x132: {  	v49 =	vld [tilespmem:s29+$0x140]  }
0x133: {  	v50 =	vld [tilespmem:s29+$0xC140];
	v5 =	vadd.f32 v5, v6  }
0x134: {  	v6 =	vadd.f32 v8, v9;
	v8 =	vld [tilespmem:s29+$0x150]  }
0x135: {  	[tilespmem:s29+$0x100] =	vst v5;
	v5 =	vadd.f32 v10, v7;
	v7 =	vld [tilespmem:s29+$0xC150]  }
0x136: {  	v4 =	vadd.f32 v11, v4;
	[tilespmem:s29+$0x110] =	vst v6;
	v6 =	vld [tilespmem:s29+$0x160]  }
0x137: {  	[tilespmem:s29+$0x120] =	vst v5;
	v5 =	vld [tilespmem:s29+$0xC160]  }
0x138: {  	v9 =	vadd.f32 v50, v49;
	[tilespmem:s29+$0x130] =	vst v4;
	v4 =	vld [tilespmem:s29+$0x170]  }
0x139: {  	v10 =	vld [tilespmem:s29+$0xC170]  }
0x13a: {  	s30 =	sor.u32 s20, s24;
	v3 =	vadd.f32 v51, v3;
	v11 =	vld [tilespmem:s22+$0x110];
	[tilespmem:s29+$0x140] =	vst v9  }
0x13b: {  	v9 =	vld [tilespmem:s30+$0x110];
	v7 =	vadd.f32 v7, v8  }
0x13c: {  	[tilespmem:s22+$0x100] =	vst v3;
	v8 =	vld [tilespmem:s30+$0x100];
	v5 =	vadd.f32 v5, v6  }
0x13d: {  	[tilespmem:s29+$0x150] =	vst v7;
	v6 =	vld [tilespmem:s22+$0xC110]  }
0x13e: {  	v4 =	vadd.f32 v10, v4;
	v3 =	vld [tilespmem:s30+$0x120];
	[tilespmem:s29+$0x160] =	vst v5  }
0x13f: {  	v5 =	vld [tilespmem:s30+$0x130]  }
0x140: {  	[tilespmem:s29+$0x170] =	vst v4;
	v4 =	vld [tilespmem:s22+$0x120]  }
0x141: {  	v7 =	vld [tilespmem:s30+$0xC100]  }
0x142: {  	v10 =	vld [tilespmem:s30+$0xC110]  }
0x143: {  	v52 =	vld [tilespmem:s30+$0xC120]  }
0x144: {  	v53 =	vld [tilespmem:s30+$0xC130]  }
0x145: {  	v54 =	vld [tilespmem:s30+$0x140]  }
0x146: {  	v55 =	vld [tilespmem:s30+$0xC140];
	v7 =	vadd.f32 v7, v8  }
0x147: {  	v8 =	vadd.f32 v10, v9;
	v9 =	vld [tilespmem:s30+$0x150]  }
0x148: {  	v3 =	vadd.f32 v52, v3;
	[tilespmem:s30+$0x100] =	vst v7;
	v7 =	vld [tilespmem:s30+$0xC150]  }
0x149: {  	[tilespmem:s30+$0x110] =	vst v8;
	v8 =	vld [tilespmem:s30+$0x160]  }
0x14a: {  	v5 =	vadd.f32 v53, v5;
	[tilespmem:s30+$0x120] =	vst v3;
	v3 =	vld [tilespmem:s30+$0xC160]  }
0x14b: {  	v6 =	vadd.f32 v6, v11;
	v11 =	vld [tilespmem:s30+$0xC170];
	v10 =	vadd.f32 v55, v54  }
0x14c: {  	[tilespmem:s30+$0x130] =	vst v5;
	v5 =	vld [tilespmem:s30+$0x170]  }
0x14d: {  	s31 =	sor.u32 s20, s31;
	v4 =	vadd.f32 v56, v4;
	[tilespmem:s30+$0x140] =	vst v10  }
0x14e: {  	[tilespmem:s22+$0x110] =	vst v6;
	v6 =	vld [tilespmem:s31+$0x110];
	v7 =	vadd.f32 v7, v9  }
0x14f: {  	[tilespmem:s22+$0x120] =	vst v4;
	v9 =	vld [tilespmem:s31+$0x100];
	v3 =	vadd.f32 v3, v8  }
0x150: {  	[tilespmem:s30+$0x150] =	vst v7;
	v7 =	vld [tilespmem:s22+$0x130]  }
0x151: {  	v4 =	vld [tilespmem:s31+$0x120];
	[tilespmem:s30+$0x160] =	vst v3;
	v3 =	vadd.f32 v11, v5  }
0x152: {  	v5 =	vld [tilespmem:s31+$0x130]  }
0x153: {  	[tilespmem:s30+$0x170] =	vst v3;
	v3 =	vld [tilespmem:s22+$0xC130]  }
0x154: {  	v8 =	vld [tilespmem:s31+$0xC100]  }
0x155: {  	v10 =	vld [tilespmem:s31+$0xC110]  }
0x156: {  	v11 =	vld [tilespmem:s31+$0xC120]  }
0x157: {  	v57 =	vld [tilespmem:s31+$0xC130]  }
0x158: {  	v58 =	vld [tilespmem:s31+$0x140]  }
0x159: {  	v59 =	vld [tilespmem:s31+$0xC140];
	v8 =	vadd.f32 v8, v9  }
0x15a: {  	v6 =	vadd.f32 v10, v6;
	v9 =	vld [tilespmem:s31+$0x150]  }
0x15b: {  	v4 =	vadd.f32 v11, v4;
	[tilespmem:s31+$0x100] =	vst v8;
	v8 =	vld [tilespmem:s31+$0xC150]  }
0x15c: {  	[tilespmem:s31+$0x110] =	vst v6;
	v6 =	vld [tilespmem:s31+$0x160]  }
0x15d: {  	v5 =	vadd.f32 v57, v5;
	[tilespmem:s31+$0x120] =	vst v4;
	v4 =	vld [tilespmem:s31+$0xC160]  }
0x15e: {  	v3 =	vadd.f32 v3, v7;
	v7 =	vld [tilespmem:s31+$0xC170]  }
0x15f: {  	v10 =	vadd.f32 v59, v58;
	[tilespmem:s31+$0x130] =	vst v5;
	v5 =	vld [tilespmem:s31+$0x170];
	_ =	sdelay $0x1  }
0x160: {  	s24 =	sor.u32 s20, s28;
	v60 =	vld [tilespmem:s22+$0x140];
	[tilespmem:s31+$0x140] =	vst v10;
	v8 =	vadd.f32 v8, v9  }
0x161: {  	[tilespmem:s22+$0x130] =	vst v3;
	v10 =	vld [tilespmem:s24+$0x110];
	v3 =	vadd.f32 v4, v6  }
0x162: {  	v9 =	vld [tilespmem:s24+$0x100];
	[tilespmem:s31+$0x150] =	vst v8  }
0x163: {  	v6 =	vld [tilespmem:s24+$0x120];
	[tilespmem:s31+$0x160] =	vst v3;
	v3 =	vadd.f32 v7, v5  }
0x164: {  	v11 =	vld [tilespmem:s22+$0xC150]  }
0x165: {  	v8 =	vld [tilespmem:s24+$0x130];
	[tilespmem:s31+$0x170] =	vst v3  }
0x166: {  	v5 =	vld [tilespmem:s24+$0xC100]  }
0x167: {  	v4 =	vld [tilespmem:s22+$0xC140]  }
0x168: {  	v7 =	vld [tilespmem:s22+$0x150]  }
0x169: {  	v61 =	vld [tilespmem:s24+$0xC110]  }
0x16a: {  	v62 =	vld [tilespmem:s24+$0xC120]  }
0x16b: {  	v63 =	vld [tilespmem:s24+$0xC130];
	v9 =	vadd.f32 v5, v9  }
0x16c: {  	v15 =	vadd.f32 v4, v60;
	v3 =	vld [tilespmem:s24+$0x140]  }
0x16d: {  	v5 =	vld [tilespmem:s24+$0xC140];
	[tilespmem:s24+$0x100] =	vst v9;
	v9 =	vadd.f32 v11, v7  }
0x16e: {  	v4 =	vld [tilespmem:s24+$0x150];
	[tilespmem:s22+$0x140] =	vst v15;
	v10 =	vadd.f32 v61, v10  }
0x16f: {  	v7 =	vld [tilespmem:s24+$0xC150];
	[tilespmem:s22+$0x150] =	vst v9;
	v9 =	vadd.f32 v62, v6  }
0x170: {  	s20 =	simm.s32 $0x0;
	s21 =	simm.s32 $0x0;
	v8 =	vadd.f32 v63, v8;
	[tilespmem:s24+$0x110] =	vst v10;
	v6 =	vld [tilespmem:s24+$0x160]  }
.LBB2_2:
0x171: {  	s20 =	sadd.s32 $0x2, s20;
	[tilespmem:s24+$0x120] =	vst v9;
	v9 =	vld [tilespmem:s24+$0xC160]  }
0x172: {  	s21 =	sadd.s32 $0x100, s21;
	s0 =	sshrl.u32 s20, $0x3;
	p0 =	slt.u32 s20, $0x3E;
	[tilespmem:s24+$0x130] =	vst v8;
	v3 =	vadd.f32 v5, v3;
	v5 =	vld [tilespmem:s24+$0x170]  }
0x173: {  	s25 =	sand.u32 $0x300, s21;
	s28 =	smul.u32 $0x1800, s0;
	v8 =	vld [tilespmem:s24+$0xC170]  }
0x174: {  	s26 =	sor.u32 $0x80, s25;
	[tilespmem:s24+$0x140] =	vst v3;
	v3 =	vadd.f32 v7, v4;
	v4 =	vld [tilespmem:s22+$0x160]  }
0x175: {  	s23 =	sor.u32 s25, s28;
	s30 =	sor.u32 s28, s26;
	v7 =	vld [tilespmem:s22+$0xC160]  }
0x176: {  	v10 =	vld [tilespmem:s30+$0x100];
	[tilespmem:s24+$0x150] =	vst v3;
	v3 =	vadd.f32 v9, v6  }
0x177: {  	v6 =	vld [tilespmem:s30+$0xC100]  }
0x178: {  	v9 =	vld [tilespmem:s30+$0x110];
	[tilespmem:s24+$0x160] =	vst v3;
	v3 =	vadd.f32 v8, v5  }
0x179: {  	v5 =	vld [tilespmem:s30+$0xC110]  }
0x17a: {  	v8 =	vld [tilespmem:s30+$0x120];
	[tilespmem:s24+$0x170] =	vst v3;
	v3 =	vadd.f32 v7, v4  }
0x17b: {  	v4 =	vld [tilespmem:s30+$0xC120]  }
0x17c: {  	v7 =	vld [tilespmem:s30+$0x130];
	[tilespmem:s22+$0x160] =	vst v3  }
0x17d: {  	v3 =	vld [tilespmem:s30+$0xC130]  }
0x17e: {  	v11 =	vld [tilespmem:s30+$0x140]  }
0x17f: {  	v12 =	vld [tilespmem:s30+$0xC140]  }
0x180: {  	v13 =	vld [tilespmem:s30+$0x150]  }
0x181: {  	v14 =	vld [tilespmem:s30+$0xC150]  }
0x182: {  	v15 =	vld [tilespmem:s30+$0x160]  }
0x183: {  	v16 =	vld [tilespmem:s30+$0xC160]  }
0x184: {  	v17 =	vld [tilespmem:s30+$0x170]  }
0x185: {  	v18 =	vld [tilespmem:s30+$0xC170]  }
0x186: {  	v19 =	vld [tilespmem:s30+$0x500]  }
0x187: {  	v20 =	vld [tilespmem:s30+$0xC500]  }
0x188: {  	v21 =	vld [tilespmem:s30+$0x510]  }
0x189: {  	v22 =	vld [tilespmem:s30+$0xC510]  }
0x18a: {  	v23 =	vld [tilespmem:s30+$0x520]  }
0x18b: {  	v6 =	vadd.f32 v6, v10;
	v10 =	vld [tilespmem:s30+$0xC520]  }
0x18c: {  	v5 =	vadd.f32 v5, v9;
	v9 =	vld [tilespmem:s30+$0x530]  }
0x18d: {  	v4 =	vadd.f32 v4, v8;
	[tilespmem:s30+$0x100] =	vst v6;
	v6 =	vld [tilespmem:s30+$0xC530]  }
0x18e: {  	v3 =	vadd.f32 v3, v7;
	[tilespmem:s30+$0x110] =	vst v5;
	v5 =	vld [tilespmem:s30+$0x540]  }
0x18f: {  	[tilespmem:s30+$0x120] =	vst v4;
	v4 =	vadd.f32 v12, v11;
	v7 =	vld [tilespmem:s30+$0x550]  }
0x190: {  	[tilespmem:s30+$0x130] =	vst v3;
	v3 =	vadd.f32 v14, v13;
	v8 =	vld [tilespmem:s30+$0xC550]  }
0x191: {  	[tilespmem:s30+$0x140] =	vst v4;
	v4 =	vadd.f32 v16, v15;
	v11 =	vld [tilespmem:s30+$0x560]  }
0x192: {  	[tilespmem:s30+$0x150] =	vst v3;
	v3 =	vadd.f32 v18, v17;
	v12 =	vld [tilespmem:s30+$0xC560]  }
0x193: {  	[tilespmem:s30+$0x160] =	vst v4;
	v4 =	vadd.f32 v20, v19;
	v13 =	vld [tilespmem:s30+$0x570]  }
0x194: {  	[tilespmem:s30+$0x170] =	vst v3;
	v3 =	vadd.f32 v22, v21;
	v14 =	vld [tilespmem:s30+$0xC570]  }
0x195: {  	[tilespmem:s30+$0x500] =	vst v4;
	v4 =	vadd.f32 v10, v23;
	v10 =	vld [tilespmem:s30+$0xC540]  }
0x196: {  	v15 =	vld [tilespmem:s23+$0x100];
	[tilespmem:s30+$0x510] =	vst v3;
	v3 =	vadd.f32 v6, v9  }
0x197: {  	v6 =	vld [tilespmem:s23+$0xC100];
	[tilespmem:s30+$0x520] =	vst v4;
	v4 =	vadd.f32 v8, v7  }
0x198: {  	v7 =	vld [tilespmem:s23+$0x110];
	[tilespmem:s30+$0x530] =	vst v3;
	v3 =	vadd.f32 v12, v11  }
0x199: {  	v8 =	vld [tilespmem:s23+$0xC110];
	[tilespmem:s30+$0x550] =	vst v4;
	v4 =	vadd.f32 v14, v13  }
0x19a: {  	s0 =	sadd.s32 $0x800, s28;
	v9 =	vld [tilespmem:s23+$0x120];
	v5 =	vadd.f32 v10, v5;
	[tilespmem:s30+$0x560] =	vst v3  }
0x19b: {  	s29 =	sor.u32 s25, s0;
	s22 =	sor.u32 s26, s0;
	v3 =	vld [tilespmem:s23+$0xC120];
	[tilespmem:s30+$0x570] =	vst v4  }
0x19c: {  	v4 =	vadd.f32 v6, v15;
	[tilespmem:s30+$0x540] =	vst v5;
	v5 =	vld [tilespmem:s22+$0x100]  }
0x19d: {  	v6 =	vld [tilespmem:s22+$0xC100]  }
0x19e: {  	[tilespmem:s23+$0x100] =	vst v4;
	v4 =	vadd.f32 v8, v7;
	v7 =	vld [tilespmem:s22+$0x110]  }
0x19f: {  	v8 =	vld [tilespmem:s22+$0xC110]  }
0x1a0: {  	[tilespmem:s23+$0x110] =	vst v4;
	v3 =	vadd.f32 v3, v9;
	v4 =	vld [tilespmem:s22+$0x120]  }
0x1a1: {  	v9 =	vld [tilespmem:s22+$0xC120]  }
0x1a2: {  	[tilespmem:s23+$0x120] =	vst v3;
	v3 =	vld [tilespmem:s22+$0x130]  }
0x1a3: {  	v10 =	vld [tilespmem:s22+$0xC130]  }
0x1a4: {  	v11 =	vld [tilespmem:s22+$0x140]  }
0x1a5: {  	v12 =	vld [tilespmem:s22+$0x150]  }
0x1a6: {  	v13 =	vld [tilespmem:s22+$0xC150]  }
0x1a7: {  	v14 =	vld [tilespmem:s22+$0x160]  }
0x1a8: {  	v15 =	vld [tilespmem:s22+$0xC160]  }
0x1a9: {  	v5 =	vadd.f32 v6, v5;
	v6 =	vld [tilespmem:s22+$0x170]  }
0x1aa: {  	v7 =	vadd.f32 v8, v7;
	v8 =	vld [tilespmem:s22+$0xC170]  }
0x1ab: {  	v4 =	vadd.f32 v9, v4;
	[tilespmem:s22+$0x100] =	vst v5;
	v5 =	vld [tilespmem:s22+$0xC140]  }
0x1ac: {  	v3 =	vadd.f32 v10, v3;
	v9 =	vld [tilespmem:s23+$0x130];
	[tilespmem:s22+$0x110] =	vst v7  }
0x1ad: {  	v7 =	vld [tilespmem:s23+$0xC130];
	[tilespmem:s22+$0x120] =	vst v4;
	v4 =	vadd.f32 v13, v12  }
0x1ae: {  	v10 =	vld [tilespmem:s23+$0x140];
	[tilespmem:s22+$0x130] =	vst v3;
	v3 =	vadd.f32 v15, v14  }
0x1af: {  	v12 =	vld [tilespmem:s23+$0xC140];
	[tilespmem:s22+$0x150] =	vst v4;
	v4 =	vadd.f32 v8, v6  }
0x1b0: {  	s0 =	sadd.s32 $0xC00, s28;
	v6 =	vld [tilespmem:s23+$0x150];
	v5 =	vadd.f32 v5, v11;
	[tilespmem:s22+$0x160] =	vst v3  }
0x1b1: {  	s24 =	sor.u32 s26, s0;
	s30 =	sor.u32 s25, s0;
	v3 =	vld [tilespmem:s23+$0xC150];
	[tilespmem:s22+$0x170] =	vst v4  }
0x1b2: {  	v4 =	vadd.f32 v7, v9;
	[tilespmem:s22+$0x140] =	vst v5;
	v5 =	vld [tilespmem:s24+$0x100]  }
0x1b3: {  	v7 =	vld [tilespmem:s24+$0xC100]  }
0x1b4: {  	[tilespmem:s23+$0x130] =	vst v4;
	v4 =	vadd.f32 v12, v10;
	v8 =	vld [tilespmem:s24+$0x110]  }
0x1b5: {  	v9 =	vld [tilespmem:s24+$0xC110]  }
0x1b6: {  	[tilespmem:s23+$0x140] =	vst v4;
	v3 =	vadd.f32 v3, v6;
	v4 =	vld [tilespmem:s24+$0x120]  }
0x1b7: {  	v6 =	vld [tilespmem:s24+$0xC120]  }
0x1b8: {  	[tilespmem:s23+$0x150] =	vst v3;
	v3 =	vld [tilespmem:s24+$0x130]  }
0x1b9: {  	v10 =	vld [tilespmem:s24+$0xC130]  }
0x1ba: {  	v11 =	vld [tilespmem:s24+$0x140]  }
0x1bb: {  	v12 =	vld [tilespmem:s24+$0x150]  }
0x1bc: {  	v13 =	vld [tilespmem:s24+$0xC150]  }
0x1bd: {  	v14 =	vld [tilespmem:s24+$0x160]  }
0x1be: {  	v15 =	vld [tilespmem:s24+$0xC160]  }
0x1bf: {  	v5 =	vadd.f32 v7, v5;
	v7 =	vld [tilespmem:s24+$0x170]  }
0x1c0: {  	v8 =	vadd.f32 v9, v8;
	v9 =	vld [tilespmem:s24+$0xC170]  }
0x1c1: {  	v4 =	vadd.f32 v6, v4;
	[tilespmem:s24+$0x100] =	vst v5;
	v5 =	vld [tilespmem:s24+$0xC140]  }
0x1c2: {  	v3 =	vadd.f32 v10, v3;
	v6 =	vld [tilespmem:s23+$0x160];
	[tilespmem:s24+$0x110] =	vst v8  }
0x1c3: {  	v8 =	vld [tilespmem:s23+$0xC160];
	[tilespmem:s24+$0x120] =	vst v4;
	v4 =	vadd.f32 v13, v12  }
0x1c4: {  	v10 =	vld [tilespmem:s23+$0x170];
	[tilespmem:s24+$0x130] =	vst v3;
	v3 =	vadd.f32 v15, v14  }
0x1c5: {  	v12 =	vld [tilespmem:s23+$0xC170];
	[tilespmem:s24+$0x150] =	vst v4;
	v4 =	vadd.f32 v9, v7  }
0x1c6: {  	s0 =	sadd.s32 $0x1000, s28;
	v7 =	vld [tilespmem:s23+$0x500];
	v5 =	vadd.f32 v5, v11;
	[tilespmem:s24+$0x160] =	vst v3  }
0x1c7: {  	s31 =	sor.u32 s25, s0;
	s0 =	sor.u32 s26, s0;
	v3 =	vld [tilespmem:s23+$0xC500];
	[tilespmem:s24+$0x170] =	vst v4  }
0x1c8: {  	v4 =	vadd.f32 v8, v6;
	[tilespmem:s24+$0x140] =	vst v5;
	v5 =	vld [tilespmem:s0+$0x100]  }
0x1c9: {  	v6 =	vld [tilespmem:s0+$0xC100]  }
0x1ca: {  	[tilespmem:s23+$0x160] =	vst v4;
	v4 =	vadd.f32 v12, v10;
	v8 =	vld [tilespmem:s0+$0x110]  }
0x1cb: {  	v9 =	vld [tilespmem:s0+$0xC110]  }
0x1cc: {  	[tilespmem:s23+$0x170] =	vst v4;
	v3 =	vadd.f32 v3, v7;
	v4 =	vld [tilespmem:s0+$0x120]  }
0x1cd: {  	v7 =	vld [tilespmem:s0+$0xC120]  }
0x1ce: {  	[tilespmem:s23+$0x500] =	vst v3;
	v3 =	vld [tilespmem:s0+$0x130]  }
0x1cf: {  	v10 =	vld [tilespmem:s0+$0x140]  }
0x1d0: {  	v11 =	vld [tilespmem:s0+$0xC140]  }
0x1d1: {  	v12 =	vld [tilespmem:s0+$0x150]  }
0x1d2: {  	v13 =	vld [tilespmem:s0+$0xC150]  }
0x1d3: {  	v14 =	vld [tilespmem:s0+$0x160]  }
0x1d4: {  	v15 =	vld [tilespmem:s0+$0xC160]  }
0x1d5: {  	v5 =	vadd.f32 v6, v5;
	v6 =	vld [tilespmem:s0+$0x170]  }
0x1d6: {  	v8 =	vadd.f32 v9, v8;
	v9 =	vld [tilespmem:s0+$0xC170]  }
0x1d7: {  	v4 =	vadd.f32 v7, v4;
	[tilespmem:s0+$0x100] =	vst v5;
	v5 =	vld [tilespmem:s0+$0xC130]  }
0x1d8: {  	v7 =	vld [tilespmem:s23+$0x510];
	[tilespmem:s0+$0x110] =	vst v8;
	v8 =	vadd.f32 v11, v10  }
0x1d9: {  	v10 =	vld [tilespmem:s23+$0xC510];
	[tilespmem:s0+$0x120] =	vst v4;
	v4 =	vadd.f32 v13, v12  }
0x1da: {  	v11 =	vld [tilespmem:s23+$0x520];
	[tilespmem:s0+$0x140] =	vst v8;
	v8 =	vadd.f32 v15, v14  }
0x1db: {  	v12 =	vld [tilespmem:s23+$0xC520];
	[tilespmem:s0+$0x150] =	vst v4;
	v4 =	vadd.f32 v9, v6  }
0x1dc: {  	s22 =	sadd.s32 $0x1400, s28;
	v6 =	vld [tilespmem:s23+$0x530];
	v3 =	vadd.f32 v5, v3;
	[tilespmem:s0+$0x160] =	vst v8  }
0x1dd: {  	s24 =	sor.u32 s25, s22;
	s22 =	sor.u32 s26, s22;
	v5 =	vld [tilespmem:s23+$0xC530];
	[tilespmem:s0+$0x170] =	vst v4  }
0x1de: {  	v4 =	vadd.f32 v10, v7;
	[tilespmem:s0+$0x130] =	vst v3;
	v3 =	vld [tilespmem:s22+$0x170]  }
0x1df: {  	v7 =	vld [tilespmem:s22+$0xC170]  }
0x1e0: {  	[tilespmem:s23+$0x510] =	vst v4;
	v4 =	vadd.f32 v12, v11;
	v8 =	vld [tilespmem:s23+$0x540]  }
0x1e1: {  	v9 =	vld [tilespmem:s23+$0xC540]  }
0x1e2: {  	[tilespmem:s23+$0x520] =	vst v4;
	v4 =	vadd.f32 v5, v6;
	v5 =	vld [tilespmem:s23+$0x550]  }
0x1e3: {  	v6 =	vld [tilespmem:s23+$0xC550]  }
0x1e4: {  	[tilespmem:s23+$0x530] =	vst v4;
	v4 =	vld [tilespmem:s23+$0x560];
	v3 =	vadd.f32 v7, v3  }
0x1e5: {  	v7 =	vld [tilespmem:s23+$0xC560]  }
0x1e6: {  	v8 =	vadd.f32 v9, v8;
	v9 =	vld [tilespmem:s23+$0x570];
	[tilespmem:s22+$0x170] =	vst v3  }
0x1e7: {  	v3 =	vld [tilespmem:s23+$0xC570]  }
0x1e8: {  	[tilespmem:s23+$0x540] =	vst v8;
	v5 =	vadd.f32 v6, v5;
	v6 =	vld [tilespmem:s29+$0x100]  }
0x1e9: {  	v8 =	vld [tilespmem:s29+$0x110]  }
0x1ea: {  	[tilespmem:s23+$0x550] =	vst v5;
	v4 =	vadd.f32 v7, v4;
	v5 =	vld [tilespmem:s22+$0x100]  }
0x1eb: {  	v7 =	vld [tilespmem:s29+$0x120]  }
0x1ec: {  	[tilespmem:s23+$0x560] =	vst v4;
	v3 =	vadd.f32 v3, v9;
	v4 =	vld [tilespmem:s22+$0xC100]  }
0x1ed: {  	v9 =	vld [tilespmem:s29+$0x130]  }
0x1ee: {  	[tilespmem:s23+$0x570] =	vst v3;
	v3 =	vld [tilespmem:s22+$0x110]  }
0x1ef: {  	v10 =	vld [tilespmem:s29+$0xC100]  }
0x1f0: {  	v11 =	vld [tilespmem:s29+$0xC110]  }
0x1f1: {  	v12 =	vld [tilespmem:s29+$0xC120];
	v4 =	vadd.f32 v4, v5  }
0x1f2: {  	v5 =	vld [tilespmem:s29+$0xC130]  }
0x1f3: {  	v13 =	vld [tilespmem:s29+$0x140];
	[tilespmem:s22+$0x100] =	vst v4  }
0x1f4: {  	v4 =	vadd.f32 v10, v6;
	v6 =	vld [tilespmem:s29+$0xC140]  }
0x1f5: {  	v8 =	vadd.f32 v11, v8;
	v10 =	vld [tilespmem:s29+$0x150]  }
0x1f6: {  	[tilespmem:s29+$0x100] =	vst v4;
	v4 =	vadd.f32 v12, v7;
	v7 =	vld [tilespmem:s29+$0xC150]  }
0x1f7: {  	[tilespmem:s29+$0x110] =	vst v8;
	v5 =	vadd.f32 v5, v9;
	v8 =	vld [tilespmem:s29+$0x160]  }
0x1f8: {  	[tilespmem:s29+$0x120] =	vst v4;
	v4 =	vld [tilespmem:s29+$0xC160]  }
0x1f9: {  	[tilespmem:s29+$0x130] =	vst v5;
	v5 =	vadd.f32 v6, v13;
	v6 =	vld [tilespmem:s29+$0x170]  }
0x1fa: {  	v9 =	vld [tilespmem:s29+$0xC170]  }
0x1fb: {  	[tilespmem:s29+$0x140] =	vst v5;
	v5 =	vadd.f32 v7, v10;
	v7 =	vld [tilespmem:s30+$0x100]  }
0x1fc: {  	v10 =	vld [tilespmem:s30+$0x110]  }
0x1fd: {  	[tilespmem:s29+$0x150] =	vst v5;
	v4 =	vadd.f32 v4, v8;
	v5 =	vld [tilespmem:s22+$0xC110]  }
0x1fe: {  	v8 =	vld [tilespmem:s30+$0x120]  }
0x1ff: {  	[tilespmem:s29+$0x160] =	vst v4;
	v4 =	vadd.f32 v9, v6;
	v6 =	vld [tilespmem:s22+$0x120]  }
0x200: {  	v9 =	vld [tilespmem:s30+$0x130]  }
0x201: {  	[tilespmem:s29+$0x170] =	vst v4;
	v4 =	vld [tilespmem:s22+$0xC120]  }
0x202: {  	v11 =	vld [tilespmem:s30+$0xC100];
	v3 =	vadd.f32 v5, v3  }
0x203: {  	v5 =	vld [tilespmem:s30+$0xC110]  }
0x204: {  	v12 =	vld [tilespmem:s30+$0xC120];
	[tilespmem:s22+$0x110] =	vst v3  }
0x205: {  	v3 =	vld [tilespmem:s30+$0xC130]  }
0x206: {  	v13 =	vld [tilespmem:s30+$0x140];
	v4 =	vadd.f32 v4, v6  }
0x207: {  	v6 =	vadd.f32 v11, v7;
	v7 =	vld [tilespmem:s30+$0xC140]  }
0x208: {  	v5 =	vadd.f32 v5, v10;
	v10 =	vld [tilespmem:s30+$0x150];
	[tilespmem:s22+$0x120] =	vst v4  }
0x209: {  	[tilespmem:s30+$0x100] =	vst v6;
	v4 =	vadd.f32 v12, v8;
	v6 =	vld [tilespmem:s30+$0xC150]  }
0x20a: {  	[tilespmem:s30+$0x110] =	vst v5;
	v3 =	vadd.f32 v3, v9;
	v5 =	vld [tilespmem:s30+$0x160]  }
0x20b: {  	[tilespmem:s30+$0x120] =	vst v4;
	v4 =	vld [tilespmem:s30+$0xC160]  }
0x20c: {  	[tilespmem:s30+$0x130] =	vst v3;
	v3 =	vadd.f32 v7, v13;
	v7 =	vld [tilespmem:s30+$0x170]  }
0x20d: {  	v8 =	vld [tilespmem:s30+$0xC170]  }
0x20e: {  	[tilespmem:s30+$0x140] =	vst v3;
	v3 =	vadd.f32 v6, v10;
	v6 =	vld [tilespmem:s31+$0x100]  }
0x20f: {  	v9 =	vld [tilespmem:s31+$0x110]  }
0x210: {  	[tilespmem:s30+$0x150] =	vst v3;
	v3 =	vadd.f32 v4, v5;
	v4 =	vld [tilespmem:s22+$0x130]  }
0x211: {  	v5 =	vld [tilespmem:s31+$0x120]  }
0x212: {  	[tilespmem:s30+$0x160] =	vst v3;
	v3 =	vadd.f32 v8, v7;
	v7 =	vld [tilespmem:s22+$0xC130]  }
0x213: {  	v8 =	vld [tilespmem:s31+$0x130]  }
0x214: {  	[tilespmem:s30+$0x170] =	vst v3;
	v3 =	vld [tilespmem:s22+$0x140]  }
0x215: {  	v10 =	vld [tilespmem:s31+$0xC100]  }
0x216: {  	v11 =	vld [tilespmem:s31+$0xC110]  }
0x217: {  	v12 =	vld [tilespmem:s31+$0xC120];
	v4 =	vadd.f32 v7, v4  }
0x218: {  	v7 =	vld [tilespmem:s31+$0xC130]  }
0x219: {  	v13 =	vld [tilespmem:s31+$0x140];
	[tilespmem:s22+$0x130] =	vst v4  }
0x21a: {  	v4 =	vadd.f32 v10, v6;
	v6 =	vld [tilespmem:s31+$0xC140]  }
0x21b: {  	v9 =	vadd.f32 v11, v9;
	v10 =	vld [tilespmem:s31+$0x150]  }
0x21c: {  	[tilespmem:s31+$0x100] =	vst v4;
	v4 =	vadd.f32 v12, v5;
	v5 =	vld [tilespmem:s31+$0xC150]  }
0x21d: {  	[tilespmem:s31+$0x110] =	vst v9;
	v7 =	vadd.f32 v7, v8;
	v8 =	vld [tilespmem:s31+$0x160]  }
0x21e: {  	[tilespmem:s31+$0x120] =	vst v4;
	v4 =	vld [tilespmem:s31+$0xC160]  }
0x21f: {  	[tilespmem:s31+$0x130] =	vst v7;
	v6 =	vadd.f32 v6, v13;
	v7 =	vld [tilespmem:s31+$0x170]  }
0x220: {  	v9 =	vld [tilespmem:s31+$0xC170]  }
0x221: {  	[tilespmem:s31+$0x140] =	vst v6;
	v5 =	vadd.f32 v5, v10;
	v6 =	vld [tilespmem:s24+$0x100]  }
0x222: {  	v10 =	vld [tilespmem:s24+$0x110]  }
0x223: {  	[tilespmem:s31+$0x150] =	vst v5;
	v4 =	vadd.f32 v4, v8;
	v5 =	vld [tilespmem:s22+$0xC140]  }
0x224: {  	v8 =	vld [tilespmem:s24+$0x120]  }
0x225: {  	[tilespmem:s31+$0x160] =	vst v4;
	v4 =	vadd.f32 v9, v7;
	v7 =	vld [tilespmem:s22+$0x150]  }
0x226: {  	v11 =	vld [tilespmem:s24+$0x130]  }
0x227: {  	[tilespmem:s31+$0x170] =	vst v4;
	v4 =	vld [tilespmem:s22+$0xC150]  }
0x228: {  	v9 =	vld [tilespmem:s24+$0xC100];
	v3 =	vadd.f32 v5, v3  }
0x229: {  	v12 =	vld [tilespmem:s24+$0xC110]  }
0x22a: {  	v13 =	vld [tilespmem:s24+$0xC120];
	[tilespmem:s22+$0x140] =	vst v3  }
0x22b: {  	v14 =	vld [tilespmem:s24+$0xC130]  }
.Ltmp0:
0x22c: {  	v3 =	vld [tilespmem:s24+$0x140];
	v7 =	vadd.f32 v4, v7;
	(pc) =	sbr.rel @p0 .LBB2_2-.Ltmp0, $4  }
0x22d: {  	v6 =	vadd.f32 v9, v6;
	v5 =	vld [tilespmem:s24+$0xC140]  }
0x22e: {  	v10 =	vadd.f32 v12, v10;
	v4 =	vld [tilespmem:s24+$0x150];
	[tilespmem:s22+$0x150] =	vst v7  }
0x22f: {  	[tilespmem:s24+$0x100] =	vst v6;
	v9 =	vadd.f32 v13, v8;
	v7 =	vld [tilespmem:s24+$0xC150]  }
0x230: {  	[tilespmem:s24+$0x110] =	vst v10;
	v8 =	vadd.f32 v14, v11;
	v6 =	vld [tilespmem:s24+$0x160]  }
0x231: {  	v61 =	vld [tilespmem:s24+$0xC160]  }
0x232: {  	v62 =	vld [tilespmem:s24+$0x170]  }
0x233: {  	v10 =	vld [tilespmem:s24+$0xC170]  }
0x234: {  	v11 =	vld [tilespmem:s22+$0x160]  }
0x235: {  	v12 =	vld [tilespmem:s22+$0xC160]  }
0x236: {  	[tilespmem:s24+$0x120] =	vst v9;
	v3 =	vadd.f32 v5, v3  }
0x237: {  	[tilespmem:s24+$0x130] =	vst v8;
	v4 =	vadd.f32 v7, v4  }
0x238: {  	[tilespmem:s24+$0x140] =	vst v3;
	v3 =	vadd.f32 v61, v6  }
0x239: {  	[tilespmem:s24+$0x150] =	vst v4;
	v63 =	vadd.f32 v10, v62  }
0x23a: {  	s19 =	sadd.s32 $0x1, s19;
	[tilespmem:s24+$0x160] =	vst v3;
	v3 =	vadd.f32 v12, v11  }
0x23b: {  	p0 =	sne.s32 s19, s9;
	[tilespmem:s24+$0x170] =	vst v63  }
.Ltmp1:
0x23c: {  	[tilespmem:s22+$0x160] =	vst v3;
	(pc) =	sbr.rel @p0 .LBB2_1-.Ltmp1, $4  }
0x23d: {  	[hbm4b:s8+s2] =	stream.linear.scatter [tilespmem:s12], [sflag:$0x2], $0xC000, $0x38;
	[tilespmem:$0x18100] =	vst v63  }
0x23e: {  	_ =	swait.ge [sflag:s10], $0xC000  }
0x23f: {  	[sflag:s10] =	ssyncset.done $0x0  }
0x240: {  	[sflag:s10] =	ssyncadd.s32 $0xFFFF4000  }
0x241: {  	_ =	sfence.sel $0x180000  }
0x242: {  	[bflag:$0x0] =	sbarrier.arrive $0xFFFF  }
0x243: {  	_ =	strace $0x9000004A  }
0x244: {  	s0 =	stileid.u32;
	[bflag:$0x2] =	sbarrier.arrive $0xFFFF  }
0x245: {  	p0 =	sne.s32 s0, $0x0;
	s0 =	rddreg [dreg:$0x2]  }
0x246: {  	s0 =	sadd.s32 @!p0 $0x100000, s0  }
0x247: {  	[sflag:s0] =	ssyncadd.tile.s32 @!p0 $0x1;
	_ =	shalt  }
.Lfunc_end2:
_tile_overlayer_lowered:
.L_overlay_start_2:
0x248: {  	(tag) =	ssettag $0x2  }
0x249: {  	s0 =	rddreg [dreg:$0x0];
	s2 =	stileid.u32  }
0x24a: {  	s1 =	rddreg [dreg:$0x1];
	p0 =	sne.s32 s2, $0x0  }
0x24b: {  	s3 =	rddreg [dreg:$0x2];
	[bflag:$0x3] =	sbarrier.arrive $0xFFFF;
	s2 =	simm.s32 @!p0 $0x1C02  }
0x24c: {  	[timem:s3], [sflag:s2] =	dma.local @!p0 [hbm:s0], s1  }
0x24d: {  	s0 =	simm.s32 @!p0 $0x2  }
0x24e: {  	_ =	swait.ge @!p0 [sflag:s0], s1  }
0x24f: {  	s1 =	ssub.s32 @!p0 $0x0, s1;
	[sflag:s0] =	ssyncset.done @!p0 $0x0  }
0x250: {  	[sflag:s0] =	ssyncadd.s32 @!p0 s1  }
0x251: {  	[bflag:$0x3] =	sbarrier.arrive $0xFFFF  }
0x252: {  	_ =	shalt  }

</sc_bundles>
